<compile_context>
chip_gen: v7x
topology: tpu7x:2x2x1
jax: 0.10.2.dev20260603
libtpu: 0.0.44.dev20260713+nightly
codegen_flags: <defaults>
</compile_context>

<pallas_src>
import functools

import jax
import jax.numpy as jnp
from jax import lax
from jax.experimental import pallas as pl
from jax.experimental.pallas import tpu as pltpu
from jax.experimental.pallas import tpu_sc as plsc

N = 10000
E = 320000
HID = 128
PERIODS = 12

NUM_CORES = 2
NUM_SUBCORES = 16
NUM_TILES = NUM_CORES * NUM_SUBCORES
LANES = 16

EDGES_PER_TILE = E // NUM_TILES
AGG_CHUNK = 16000

@functools.cache
def _sc_mesh():
  return plsc.VectorSubcoreMesh(
      core_axis_name="c", subcore_axis_name="s",
      num_cores=NUM_CORES, num_subcores=NUM_SUBCORES)


def _zero_vmem(ref, n):
  zero = jnp.zeros((LANES,), jnp.float32)

  @plsc.parallel_loop(0, n, step=LANES, unroll=8)
  def _(i):
    ref[pl.ds(i, LANES)] = zero


@functools.cache
def _sc_deg_kernel():
  return pl.kernel(
      _sc_deg_body,
      out_type=jax.ShapeDtypeStruct((NUM_TILES, N), jnp.float32),
      mesh=_sc_mesh(),
      compiler_params=pltpu.CompilerParams(needs_layout_passes=False),
      scratch_types=[
          pltpu.VMEM((EDGES_PER_TILE,), jnp.int32),
          pltpu.VMEM((EDGES_PER_TILE,), jnp.float32),
          pltpu.VMEM((N,), jnp.float32),
      ],
  )


def _sc_deg_body(dst_hbm, w_hbm, out_hbm, dst_v, w_v, deg_v):
  c = lax.axis_index("c")
  s = lax.axis_index("s")
  wid = s * NUM_CORES + c
  base = wid * EDGES_PER_TILE
  pltpu.sync_copy(dst_hbm.at[pl.ds(base, EDGES_PER_TILE)], dst_v)
  pltpu.sync_copy(w_hbm.at[pl.ds(base, EDGES_PER_TILE)], w_v)
  _zero_vmem(deg_v, N)

  @plsc.parallel_loop(0, EDGES_PER_TILE, step=LANES, unroll=8)
  def _(i):
    sl = pl.ds(i, LANES)
    plsc.addupdate_scatter(deg_v, [dst_v[sl]], w_v[sl])

  pltpu.sync_copy(deg_v, out_hbm.at[wid])


def _tc_prep_body(degp_ref, xT_ref, qT_ref, disT_ref):
  deg = jnp.sum(degp_ref[...], axis=0, keepdims=True) + 1.0
  dis = 1.0 / jnp.sqrt(deg)
  disT_ref[...] = dis
  qT_ref[...] = xT_ref[...] * dis


def _tc_prep(degp, xT):
  return pl.pallas_call(
      _tc_prep_body,
      out_shape=[
          jax.ShapeDtypeStruct((PERIODS, N), jnp.float32),
          jax.ShapeDtypeStruct((1, N), jnp.float32),
      ],
  )(degp, xT)


_HALF = E // NUM_CORES


@functools.cache
def _sc_agg_kernel():
  return pl.kernel(
      _sc_agg_body,
      out_type=jax.ShapeDtypeStruct((PERIODS, NUM_CORES, N), jnp.float32),
      mesh=_sc_mesh(),
      compiler_params=pltpu.CompilerParams(needs_layout_passes=False),
      scratch_types=[
          pltpu.VMEM((N,), jnp.float32),
          pltpu.VMEM((N,), jnp.float32),
          pltpu.VMEM((N,), jnp.float32),
          pltpu.VMEM((AGG_CHUNK,), jnp.int32),
          pltpu.VMEM((AGG_CHUNK,), jnp.float32),
      ],
  )


def _sc_agg_body(qT_hbm, sd_hbm, w_hbm, out_hbm, q_v, acc_a, acc_b, sd_v,
                 w_v):
  c = lax.axis_index("c")
  s = lax.axis_index("s")

  @pl.when(s < PERIODS)
  def _():
    pltpu.sync_copy(qT_hbm.at[s], q_v)
    _zero_vmem(acc_a, N)
    _zero_vmem(acc_b, N)
    base0 = c * _HALF

    def chunk(j, _):
      base = base0 + j * AGG_CHUNK
      pltpu.sync_copy(sd_hbm.at[pl.ds(base, AGG_CHUNK)], sd_v)
      pltpu.sync_copy(w_hbm.at[pl.ds(base, AGG_CHUNK)], w_v)

      @plsc.parallel_loop(0, AGG_CHUNK, step=2 * LANES, unroll=8)
      def _(i):
        for k, acc in ((0, acc_a), (1, acc_b)):
          sl = pl.ds(i + k * LANES, LANES)
          sd = sd_v[sl]
          srcv = lax.shift_right_logical(sd, 14)
          dstv = lax.bitwise_and(sd, 0x3FFF)
          qv = plsc.load_gather(q_v, [srcv])
          plsc.addupdate_scatter(acc, [dstv], w_v[sl] * qv)

      return 0

    lax.fori_loop(0, _HALF // AGG_CHUNK, chunk, 0)

    @plsc.parallel_loop(0, N, step=LANES, unroll=8)
    def _(i):
      sl = pl.ds(i, LANES)
      acc_a[sl] = acc_a[sl] + acc_b[sl]

    pltpu.sync_copy(acc_a, out_hbm.at[s, c])


_GRU_BLK = 2048


def _tc_gru_body(T3_ref, qT_ref, disT_ref, Wz_ref, Lz_ref, lbz_ref, Wr_ref,
                 Lr_ref, lbr_ref, Wh_ref, Lh_ref, lbh_ref, bz_ref, br_ref,
                 bh_ref, att_ref, linW_ref, linb_ref, y_ref):
  f32 = jnp.float32
  Ts = T3_ref[:, 0, :] + T3_ref[:, 1, :]
  aggT = disT_ref[...] * (Ts + qT_ref[...])

  att = att_ref[...]
  e = jnp.exp(att - jnp.max(att))
  probs = e / jnp.sum(e)

  Wzr = Wz_ref[...]
  Wrr = Wr_ref[...]
  Whr = Wh_ref[...]
  bzr = bz_ref[...]
  brr = br_ref[...]
  bhr = bh_ref[...]
  Lz = Lz_ref[...]
  Lr = Lr_ref[...]
  Lh = Lh_ref[...]
  Uzr = jnp.concatenate([Lz[HID:], Lr[HID:]], axis=1)
  lbzr = jnp.concatenate([lbz_ref[...], lbr_ref[...]], axis=1)

  eye = (lax.broadcasted_iota(jnp.int32, (PERIODS, PERIODS), 0)
         == lax.broadcasted_iota(jnp.int32, (PERIODS, PERIODS), 1)).astype(f32)
  aggC = lax.dot_general(aggT, eye, (((0,), (0,)), ((), ())),
                         precision=lax.Precision.HIGHEST,
                         preferred_element_type=f32)

  H = jnp.zeros((_GRU_BLK, HID), f32)
  Hacc = jnp.zeros((_GRU_BLK, HID), f32)
  for p in range(PERIODS):
    acol = aggC[:, p:p + 1]
    Cz = acol * Wzr + bzr
    Cr = acol * Wrr + brr
    Ch = acol * Whr + bhr
    ZR = jax.nn.sigmoid(
        jnp.concatenate(
            [jnp.dot(Cz, Lz[:HID], preferred_element_type=f32),
             jnp.dot(Cr, Lr[:HID], preferred_element_type=f32)], axis=1)
        + jnp.dot(H, Uzr, preferred_element_type=f32) + lbzr)
    Z, R = ZR[:, :HID], ZR[:, HID:]
    Ht = jnp.tanh(jnp.dot(Ch, Lh[:HID], preferred_element_type=f32)
                  + jnp.dot(H * R, Lh[HID:], preferred_element_type=f32)
                  + lbh_ref[...])
    H = Z * H + (1.0 - Z) * Ht
    Hacc = Hacc + probs[0, p] * H

  y_ref[...] = (jnp.dot(jnp.maximum(Hacc, 0.0), linW_ref[...],
                        preferred_element_type=f32) + linb_ref[...])


def _tc_gru(T3, qT, disT, Wz, Lz, lbz, Wr, Lr, lbr, Wh, Lh, lbh, bz, br, bh,
            att, linW, linb):
  full = lambda shape: pl.BlockSpec(shape, lambda i: tuple(0 for _ in shape))
  return pl.pallas_call(
      _tc_gru_body,
      grid=(pl.cdiv(N, _GRU_BLK),),
      in_specs=[
          pl.BlockSpec((PERIODS, NUM_CORES, _GRU_BLK), lambda i: (0, 0, i)),
          pl.BlockSpec((PERIODS, _GRU_BLK), lambda i: (0, i)),
          pl.BlockSpec((1, _GRU_BLK), lambda i: (0, i)),
          full((1, HID)), full((2 * HID, HID)), full((1, HID)),
          full((1, HID)), full((2 * HID, HID)), full((1, HID)),
          full((1, HID)), full((2 * HID, HID)), full((1, HID)),
          full((1, HID)), full((1, HID)), full((1, HID)),
          full((1, PERIODS)), full((HID, 1)), full((1, 1)),
      ],
      out_specs=pl.BlockSpec((_GRU_BLK, 1), lambda i: (i, 0)),
      out_shape=jax.ShapeDtypeStruct((N, 1), jnp.float32),
  )(T3, qT, disT, Wz, Lz, lbz, Wr, Lr, lbr, Wh, Lh, lbh, bz, br, bh, att,
    linW, linb)


def kernel(x, edge_index, edge_attr, Wz, bz, Lz, lbz, Wr, br, Lr, lbr, Wh,
           bh, Lh, lbh, att, linW, linb):
  src = edge_index[0]
  dst = edge_index[1]
  xT = jnp.transpose(x[:, 0, :])

  sd = jnp.bitwise_or(jnp.left_shift(src, 14), dst)

  degp = _sc_deg_kernel()(dst, edge_attr)
  qT, disT = _tc_prep(degp, xT)
  T3 = _sc_agg_kernel()(qT, sd, edge_attr)
  y = _tc_gru(
      T3, qT, disT,
      Wz, Lz, lbz.reshape(1, HID),
      Wr, Lr, lbr.reshape(1, HID),
      Wh, Lh, lbh.reshape(1, HID),
      bz.reshape(1, HID), br.reshape(1, HID), bh.reshape(1, HID),
      att.reshape(1, PERIODS), linW, linb.reshape(1, 1))
  return y.reshape(-1)

# --- scband reference (transcript-rebuilt; emitter-appended) ---
"""Pipeline reference for scband-recurrent-gcn-58402965291232 (READ-ONLY COPY).

The authoritative reference and input builder live on the scoring server;
editing this copy changes nothing except your own understanding.
"""

import jax, jax.numpy as jnp
import numpy as np

N = 10000
E = 320000
HID = 128
PERIODS = 12
OUT = 1


def setup_inputs(seed: int = 0) -> dict:
    key = jax.random.key(seed)
    ks = jax.random.split(key, 12)
    x = jax.random.normal(ks[0], (N, 1, PERIODS), dtype=jnp.float32)
    edge_index = jax.random.randint(ks[1], (2, E), 0, N, dtype=jnp.int32)
    edge_attr = jax.random.uniform(ks[2], (E,), dtype=jnp.float32)
    def gw(k, shape):
        return jax.random.normal(k, shape, dtype=jnp.float32) * 0.1
    Wz = gw(ks[3], (1, HID)); bz = jnp.zeros((HID,), jnp.float32)
    Lz = gw(ks[4], (2 * HID, HID)); lbz = jnp.zeros((HID,), jnp.float32)
    Wr = gw(ks[5], (1, HID)); br = jnp.zeros((HID,), jnp.float32)
    Lr = gw(ks[6], (2 * HID, HID)); lbr = jnp.zeros((HID,), jnp.float32)
    Wh = gw(ks[7], (1, HID)); bh = jnp.zeros((HID,), jnp.float32)
    Lh = gw(ks[8], (2 * HID, HID)); lbh = jnp.zeros((HID,), jnp.float32)
    att = jax.random.uniform(ks[9], (PERIODS,), dtype=jnp.float32)
    linW = gw(ks[10], (HID, OUT)); linb = jnp.zeros((OUT,), jnp.float32)
    return {"x": x, "edge_index": edge_index, "edge_attr": edge_attr,
            "Wz": Wz, "bz": bz, "Lz": Lz, "lbz": lbz,
            "Wr": Wr, "br": br, "Lr": Lr, "lbr": lbr,
            "Wh": Wh, "bh": bh, "Lh": Lh, "lbh": lbh,
            "att": att, "linW": linW, "linb": linb}


def gcn_conv(xx, src, dst, ew, W, b):
    # GCNConv with add_self_loops=True, symmetric normalization D^-1/2 (A+I) D^-1/2
    h = xx @ W
    loop = jnp.arange(N, dtype=src.dtype)
    s = jnp.concatenate([src, loop])
    d = jnp.concatenate([dst, loop])
    w = jnp.concatenate([ew, jnp.ones((N,), ew.dtype)])
    deg = jnp.zeros((N,), h.dtype).at[d].add(w)
    dis = jnp.where(deg > 0, 1.0 / jnp.sqrt(deg), 0.0)
    norm = dis[s] * w * dis[d]
    out = jnp.zeros((N, h.shape[1]), h.dtype).at[d].add(norm[:, None] * h[s])
    return out + b


def reference(x, edge_index, edge_attr, Wz, bz, Lz, lbz, Wr, br, Lr, lbr, Wh, bh, Lh, lbh, att, linW, linb):
    src = edge_index[0]
    dst = edge_index[1]
    probs = jax.nn.softmax(att)
    H = jnp.zeros((N, HID), jnp.float32)
    Hacc = jnp.zeros((N, HID), jnp.float32)
    for p in range(PERIODS):
        Xp = x[:, :, p]
        Z = jax.nn.sigmoid(jnp.concatenate([gcn_conv(Xp, src, dst, edge_attr, Wz, bz), H], axis=1) @ Lz + lbz)
        R = jax.nn.sigmoid(jnp.concatenate([gcn_conv(Xp, src, dst, edge_attr, Wr, br), H], axis=1) @ Lr + lbr)
        Ht = jnp.tanh(jnp.concatenate([gcn_conv(Xp, src, dst, edge_attr, Wh, bh), H * R], axis=1) @ Lh + lbh)
        H = Z * H + (1.0 - Z) * Ht
        Hacc = Hacc + probs[p] * H
    hfin = jax.nn.relu(Hacc)
    y = hfin @ linW + linb
    return y.reshape(-1)

if __name__ == "__main__":
    import jax
    _d = setup_inputs()
    print(jax.jit(kernel)(*tuple(_d.values())))

</pallas_src>

<mosaic_0001>
#map = affine_map<(d0, d1) -> (0)>
#map1 = affine_map<(d0, d1) -> (0, 0)>
module attributes {stable_mosaic.version = 14 : i64} {
  func.func @_sc_deg_body(%arg0: i32, %arg1: i32, %arg2: memref<320000xi32, #tpu.memory_space<hbm>>, %arg3: memref<320000xf32, #tpu.memory_space<hbm>>, %arg4: memref<32x10000xf32, #tpu.memory_space<hbm>>, %arg5: memref<10000xi32, #tpu.memory_space<vmem>>, %arg6: memref<10000xf32, #tpu.memory_space<vmem>>, %arg7: memref<10000xf32, #tpu.memory_space<vmem>>) attributes {dimension_semantics = [#tpu.dimension_semantics<core_parallel>, #tpu.dimension_semantics<subcore_parallel>], iteration_bounds = array<i64: 2, 16>, scalar_prefetch = 0 : i64, scratch_operands = 3 : i64, tpu.core_type = #tpu.core_type<sc_vector_subcore>, window_params = [{transform_indices = #map}, {transform_indices = #map}, {transform_indices = #map1}]} {
    %mul3A = arith.constant 2 : i32
    %mul3A_0 = arith.muli %arg1, %mul3A : i32
    %add3A = arith.addi %mul3A_0, %arg0 : i32
    %mul3A_1 = arith.constant 10000 : i32
    %mul3A_2 = arith.muli %add3A, %mul3A_1 : i32
    "tpu.region"() ({
      %run_scoped3A = tpu.sem_alloc : memref<!tpu.dma_semaphore, #tpu.memory_space<semaphore_mem>>
      %dma_start3A = tpu.memref_slice %arg2[%mul3A_2] : memref<320000xi32, #tpu.memory_space<hbm>> -> memref<10000xi32, #tpu.memory_space<hbm>>
      %dma_start3A_9 = tpu.memref_slice %arg2[%mul3A_2] : memref<320000xi32, #tpu.memory_space<hbm>> -> memref<10000xi32, #tpu.memory_space<hbm>>
      tpu.enqueue_dma source(%dma_start3A_9 : memref<10000xi32, #tpu.memory_space<hbm>>) target(%arg5 : memref<10000xi32, #tpu.memory_space<vmem>>) target_semaphore(%run_scoped3A : memref<!tpu.dma_semaphore, #tpu.memory_space<semaphore_mem>>)
      %dma_wait3A = tpu.memref_slice %arg2[%mul3A_2] : memref<320000xi32, #tpu.memory_space<hbm>> -> memref<10000xi32, #tpu.memory_space<hbm>>
      %dma_wait3A_10 = tpu.memref_slice %arg2[%mul3A_2] : memref<320000xi32, #tpu.memory_space<hbm>> -> memref<10000xi32, #tpu.memory_space<hbm>>
      tpu.wait_dma2 semaphore(%run_scoped3A : memref<!tpu.dma_semaphore, #tpu.memory_space<semaphore_mem>>) src(%dma_wait3A_10 : memref<10000xi32, #tpu.memory_space<hbm>>) dst(%arg5 : memref<10000xi32, #tpu.memory_space<vmem>>)
      tpu.yield
    }) : () -> ()
    "tpu.region"() ({
      %run_scoped3A = tpu.sem_alloc : memref<!tpu.dma_semaphore, #tpu.memory_space<semaphore_mem>>
      %dma_start3A = tpu.memref_slice %arg3[%mul3A_2] : memref<320000xf32, #tpu.memory_space<hbm>> -> memref<10000xf32, #tpu.memory_space<hbm>>
      %dma_start3A_9 = tpu.memref_slice %arg3[%mul3A_2] : memref<320000xf32, #tpu.memory_space<hbm>> -> memref<10000xf32, #tpu.memory_space<hbm>>
      tpu.enqueue_dma source(%dma_start3A_9 : memref<10000xf32, #tpu.memory_space<hbm>>) target(%arg6 : memref<10000xf32, #tpu.memory_space<vmem>>) target_semaphore(%run_scoped3A : memref<!tpu.dma_semaphore, #tpu.memory_space<semaphore_mem>>)
      %dma_wait3A = tpu.memref_slice %arg3[%mul3A_2] : memref<320000xf32, #tpu.memory_space<hbm>> -> memref<10000xf32, #tpu.memory_space<hbm>>
      %dma_wait3A_10 = tpu.memref_slice %arg3[%mul3A_2] : memref<320000xf32, #tpu.memory_space<hbm>> -> memref<10000xf32, #tpu.memory_space<hbm>>
      tpu.wait_dma2 semaphore(%run_scoped3A : memref<!tpu.dma_semaphore, #tpu.memory_space<semaphore_mem>>) src(%dma_wait3A_10 : memref<10000xf32, #tpu.memory_space<hbm>>) dst(%arg6 : memref<10000xf32, #tpu.memory_space<vmem>>)
      tpu.yield
    }) : () -> ()
    %broadcast_in_dim3A = arith.constant 0.000000e+00 : f32
    %broadcast_in_dim3A_3 = vector.broadcast %broadcast_in_dim3A : f32 to vector<16xf32>
    %parallel_loop3A = arith.constant 0 : i32
    %parallel_loop3A_4 = arith.constant 10000 : i32
    %parallel_loop3A_5 = arith.constant 16 : i32
    scf.for %parallel_loop3A_9 = %parallel_loop3A to %parallel_loop3A_4 step %parallel_loop3A_5  : i32 {
      %parallel_loop3A_10 = arith.index_cast %parallel_loop3A_9 : i32 to index
      %parallel_loop3A_11 = tpu.vector_load %arg7[%parallel_loop3A_10] {strides = array<i32>} : memref<10000xf32, #tpu.memory_space<vmem>>, vector<16xf32>,
      tpu.vector_store %arg7[%parallel_loop3A_10], %broadcast_in_dim3A_3 {strides = array<i32>} : memref<10000xf32, #tpu.memory_space<vmem>>, vector<16xf32>,
    } {sc.loop_unroll_factor = 8 : i64, sc.parallel_access}
    %parallel_loop3A_6 = arith.constant 0 : i32
    %parallel_loop3A_7 = arith.constant 10000 : i32
    %parallel_loop3A_8 = arith.constant 16 : i32
    scf.for %parallel_loop3A_9 = %parallel_loop3A_6 to %parallel_loop3A_7 step %parallel_loop3A_8  : i32 {
      %parallel_loop3A_10 = arith.index_cast %parallel_loop3A_9 : i32 to index
      %parallel_loop3A_11 = tpu.vector_load %arg5[%parallel_loop3A_10] {strides = array<i32>} : memref<10000xi32, #tpu.memory_space<vmem>>, vector<16xi32>,
      %parallel_loop3A_12 = arith.index_cast %parallel_loop3A_9 : i32 to index
      %parallel_loop3A_13 = tpu.vector_load %arg6[%parallel_loop3A_12] {strides = array<i32>} : memref<10000xf32, #tpu.memory_space<vmem>>, vector<16xf32>,
      tpu.vector_store_idx %arg7[%parallel_loop3A_11], %parallel_loop3A_13 {add = true} : memref<10000xf32, #tpu.memory_space<vmem>>[vector<16xi32>], vector<16xf32>,
    } {sc.loop_unroll_factor = 8 : i64, sc.parallel_access}
    "tpu.region"() ({
      %run_scoped3A = tpu.sem_alloc : memref<!tpu.dma_semaphore, #tpu.memory_space<semaphore_mem>>
      %dma_start3A = arith.constant 0 : i32
      %dma_start3A_9 = tpu.memref_slice %arg4[%add3A, %dma_start3A] : memref<32x10000xf32, #tpu.memory_space<hbm>> -> memref<1x10000xf32, #tpu.memory_space<hbm>>
      %dma_start3A_10 = tpu.memref_squeeze %dma_start3A_9 : memref<1x10000xf32, #tpu.memory_space<hbm>> -> memref<10000xf32, #tpu.memory_space<hbm>>
      %dma_start3A_11 = arith.constant 0 : i32
      %dma_start3A_12 = tpu.memref_slice %arg4[%add3A, %dma_start3A_11] : memref<32x10000xf32, #tpu.memory_space<hbm>> -> memref<1x10000xf32, #tpu.memory_space<hbm>>
      %dma_start3A_13 = tpu.memref_squeeze %dma_start3A_12 : memref<1x10000xf32, #tpu.memory_space<hbm>> -> memref<10000xf32, #tpu.memory_space<hbm>>
      tpu.enqueue_dma source(%arg7 : memref<10000xf32, #tpu.memory_space<vmem>>) target(%dma_start3A_13 : memref<10000xf32, #tpu.memory_space<hbm>>) target_semaphore(%run_scoped3A : memref<!tpu.dma_semaphore, #tpu.memory_space<semaphore_mem>>)
      %dma_wait3A = arith.constant 0 : i32
      %dma_wait3A_14 = tpu.memref_slice %arg4[%add3A, %dma_wait3A] : memref<32x10000xf32, #tpu.memory_space<hbm>> -> memref<1x10000xf32, #tpu.memory_space<hbm>>
      %dma_wait3A_15 = tpu.memref_squeeze %dma_wait3A_14 : memref<1x10000xf32, #tpu.memory_space<hbm>> -> memref<10000xf32, #tpu.memory_space<hbm>>
      %dma_wait3A_16 = arith.constant 0 : i32
      %dma_wait3A_17 = tpu.memref_slice %arg4[%add3A, %dma_wait3A_16] : memref<32x10000xf32, #tpu.memory_space<hbm>> -> memref<1x10000xf32, #tpu.memory_space<hbm>>
      %dma_wait3A_18 = tpu.memref_squeeze %dma_wait3A_17 : memref<1x10000xf32, #tpu.memory_space<hbm>> -> memref<10000xf32, #tpu.memory_space<hbm>>
      tpu.wait_dma2 semaphore(%run_scoped3A : memref<!tpu.dma_semaphore, #tpu.memory_space<semaphore_mem>>) src(%arg7 : memref<10000xf32, #tpu.memory_space<vmem>>) dst(%dma_wait3A_18 : memref<10000xf32, #tpu.memory_space<hbm>>)
      tpu.yield
    }) : () -> ()
    return
  }
}

#map = affine_map<(d0, d1) -> (0, 0)>
#map1 = affine_map<(d0, d1) -> (0)>
#map2 = affine_map<(d0, d1) -> (0, 0, 0)>
module attributes {stable_mosaic.version = 14 : i64} {
  func.func @_sc_agg_body(%arg0: i32, %arg1: i32, %arg2: memref<12x10000xf32, #tpu.memory_space<hbm>>, %arg3: memref<320000xi32, #tpu.memory_space<hbm>>, %arg4: memref<320000xf32, #tpu.memory_space<hbm>>, %arg5: memref<12x2x10000xf32, #tpu.memory_space<hbm>>, %arg6: memref<10000xf32, #tpu.memory_space<vmem>>, %arg7: memref<10000xf32, #tpu.memory_space<vmem>>, %arg8: memref<10000xf32, #tpu.memory_space<vmem>>, %arg9: memref<16000xi32, #tpu.memory_space<vmem>>, %arg10: memref<16000xf32, #tpu.memory_space<vmem>>) attributes {dimension_semantics = [#tpu.dimension_semantics<core_parallel>, #tpu.dimension_semantics<subcore_parallel>], iteration_bounds = array<i64: 2, 16>, scalar_prefetch = 0 : i64, scratch_operands = 5 : i64, tpu.core_type = #tpu.core_type<sc_vector_subcore>, window_params = [{transform_indices = #map}, {transform_indices = #map1}, {transform_indices = #map1}, {transform_indices = #map2}]} {
    %lt3A = arith.constant 12 : i32
    %lt3A_0 = arith.cmpi slt, %arg1, %lt3A : i32
    %convert_element_type3A = arith.extui %lt3A_0 : i1 to i32
    %cond3A = arith.constant 0 : i32
    %cond3A_1 = arith.cmpi ne, %convert_element_type3A, %cond3A : i32
    scf.if %cond3A_1 {
      "tpu.region"() ({
        %run_scoped3A = tpu.sem_alloc : memref<!tpu.dma_semaphore, #tpu.memory_space<semaphore_mem>>
        %dma_start3A = arith.constant 0 : i32
        %dma_start3A_20 = tpu.memref_slice %arg2[%arg1, %dma_start3A] : memref<12x10000xf32, #tpu.memory_space<hbm>> -> memref<1x10000xf32, #tpu.memory_space<hbm>>
        %dma_start3A_21 = tpu.memref_squeeze %dma_start3A_20 : memref<1x10000xf32, #tpu.memory_space<hbm>> -> memref<10000xf32, #tpu.memory_space<hbm>>
        %dma_start3A_22 = arith.constant 0 : i32
        %dma_start3A_23 = tpu.memref_slice %arg2[%arg1, %dma_start3A_22] : memref<12x10000xf32, #tpu.memory_space<hbm>> -> memref<1x10000xf32, #tpu.memory_space<hbm>>
        %dma_start3A_24 = tpu.memref_squeeze %dma_start3A_23 : memref<1x10000xf32, #tpu.memory_space<hbm>> -> memref<10000xf32, #tpu.memory_space<hbm>>
        tpu.enqueue_dma source(%dma_start3A_24 : memref<10000xf32, #tpu.memory_space<hbm>>) target(%arg6 : memref<10000xf32, #tpu.memory_space<vmem>>) target_semaphore(%run_scoped3A : memref<!tpu.dma_semaphore, #tpu.memory_space<semaphore_mem>>)
        %dma_wait3A = arith.constant 0 : i32
        %dma_wait3A_25 = tpu.memref_slice %arg2[%arg1, %dma_wait3A] : memref<12x10000xf32, #tpu.memory_space<hbm>> -> memref<1x10000xf32, #tpu.memory_space<hbm>>
        %dma_wait3A_26 = tpu.memref_squeeze %dma_wait3A_25 : memref<1x10000xf32, #tpu.memory_space<hbm>> -> memref<10000xf32, #tpu.memory_space<hbm>>
        %dma_wait3A_27 = arith.constant 0 : i32
        %dma_wait3A_28 = tpu.memref_slice %arg2[%arg1, %dma_wait3A_27] : memref<12x10000xf32, #tpu.memory_space<hbm>> -> memref<1x10000xf32, #tpu.memory_space<hbm>>
        %dma_wait3A_29 = tpu.memref_squeeze %dma_wait3A_28 : memref<1x10000xf32, #tpu.memory_space<hbm>> -> memref<10000xf32, #tpu.memory_space<hbm>>
        tpu.wait_dma2 semaphore(%run_scoped3A : memref<!tpu.dma_semaphore, #tpu.memory_space<semaphore_mem>>) src(%dma_wait3A_29 : memref<10000xf32, #tpu.memory_space<hbm>>) dst(%arg6 : memref<10000xf32, #tpu.memory_space<vmem>>)
        tpu.yield
      }) : () -> ()
      %broadcast_in_dim3A = arith.constant 0.000000e+00 : f32
      %broadcast_in_dim3A_2 = vector.broadcast %broadcast_in_dim3A : f32 to vector<16xf32>
      %parallel_loop3A = arith.constant 0 : i32
      %parallel_loop3A_3 = arith.constant 10000 : i32
      %parallel_loop3A_4 = arith.constant 16 : i32
      scf.for %parallel_loop3A_20 = %parallel_loop3A to %parallel_loop3A_3 step %parallel_loop3A_4  : i32 {
        %parallel_loop3A_21 = arith.index_cast %parallel_loop3A_20 : i32 to index
        %parallel_loop3A_22 = tpu.vector_load %arg7[%parallel_loop3A_21] {strides = array<i32>} : memref<10000xf32, #tpu.memory_space<vmem>>, vector<16xf32>,
        tpu.vector_store %arg7[%parallel_loop3A_21], %broadcast_in_dim3A_2 {strides = array<i32>} : memref<10000xf32, #tpu.memory_space<vmem>>, vector<16xf32>,
      } {sc.loop_unroll_factor = 8 : i64, sc.parallel_access}
      %broadcast_in_dim3A_5 = arith.constant 0.000000e+00 : f32
      %broadcast_in_dim3A_6 = vector.broadcast %broadcast_in_dim3A_5 : f32 to vector<16xf32>
      %parallel_loop3A_7 = arith.constant 0 : i32
      %parallel_loop3A_8 = arith.constant 10000 : i32
      %parallel_loop3A_9 = arith.constant 16 : i32
      scf.for %parallel_loop3A_20 = %parallel_loop3A_7 to %parallel_loop3A_8 step %parallel_loop3A_9  : i32 {
        %parallel_loop3A_21 = arith.index_cast %parallel_loop3A_20 : i32 to index
        %parallel_loop3A_22 = tpu.vector_load %arg8[%parallel_loop3A_21] {strides = array<i32>} : memref<10000xf32, #tpu.memory_space<vmem>>, vector<16xf32>,
        tpu.vector_store %arg8[%parallel_loop3A_21], %broadcast_in_dim3A_6 {strides = array<i32>} : memref<10000xf32, #tpu.memory_space<vmem>>, vector<16xf32>,
      } {sc.loop_unroll_factor = 8 : i64, sc.parallel_access}
      %mul3A = arith.constant 160000 : i32
      %mul3A_10 = arith.muli %arg0, %mul3A : i32
      %scan3A = arith.constant 0 : i32
      %scan3A_11 = arith.constant 0 : i32
      %scan3A_12 = arith.constant 10 : i32
      %scan3A_13 = arith.addi %scan3A_11, %scan3A_12 : i32
      %scan3A_14 = arith.constant 1 : i32
      %scan3A_15 = scf.for %scan3A_20 = %scan3A_11 to %scan3A_13 step %scan3A_14 iter_args(%scan3A_21 = %scan3A) -> (i32)  : i32 {
        %mul3A_22 = arith.constant 16000 : i32
        %mul3A_23 = arith.muli %scan3A_20, %mul3A_22 : i32
        %add3A = arith.addi %mul3A_10, %mul3A_23 : i32
        "tpu.region"() ({
          %run_scoped3A = tpu.sem_alloc : memref<!tpu.dma_semaphore, #tpu.memory_space<semaphore_mem>>
          %dma_start3A = tpu.memref_slice %arg3[%add3A] : memref<320000xi32, #tpu.memory_space<hbm>> -> memref<16000xi32, #tpu.memory_space<hbm>>
          %dma_start3A_28 = tpu.memref_slice %arg3[%add3A] : memref<320000xi32, #tpu.memory_space<hbm>> -> memref<16000xi32, #tpu.memory_space<hbm>>
          tpu.enqueue_dma source(%dma_start3A_28 : memref<16000xi32, #tpu.memory_space<hbm>>) target(%arg9 : memref<16000xi32, #tpu.memory_space<vmem>>) target_semaphore(%run_scoped3A : memref<!tpu.dma_semaphore, #tpu.memory_space<semaphore_mem>>)
          %dma_wait3A = tpu.memref_slice %arg3[%add3A] : memref<320000xi32, #tpu.memory_space<hbm>> -> memref<16000xi32, #tpu.memory_space<hbm>>
          %dma_wait3A_29 = tpu.memref_slice %arg3[%add3A] : memref<320000xi32, #tpu.memory_space<hbm>> -> memref<16000xi32, #tpu.memory_space<hbm>>
          tpu.wait_dma2 semaphore(%run_scoped3A : memref<!tpu.dma_semaphore, #tpu.memory_space<semaphore_mem>>) src(%dma_wait3A_29 : memref<16000xi32, #tpu.memory_space<hbm>>) dst(%arg9 : memref<16000xi32, #tpu.memory_space<vmem>>)
          tpu.yield
        }) : () -> ()
        "tpu.region"() ({
          %run_scoped3A = tpu.sem_alloc : memref<!tpu.dma_semaphore, #tpu.memory_space<semaphore_mem>>
          %dma_start3A = tpu.memref_slice %arg4[%add3A] : memref<320000xf32, #tpu.memory_space<hbm>> -> memref<16000xf32, #tpu.memory_space<hbm>>
          %dma_start3A_28 = tpu.memref_slice %arg4[%add3A] : memref<320000xf32, #tpu.memory_space<hbm>> -> memref<16000xf32, #tpu.memory_space<hbm>>
          tpu.enqueue_dma source(%dma_start3A_28 : memref<16000xf32, #tpu.memory_space<hbm>>) target(%arg10 : memref<16000xf32, #tpu.memory_space<vmem>>) target_semaphore(%run_scoped3A : memref<!tpu.dma_semaphore, #tpu.memory_space<semaphore_mem>>)
          %dma_wait3A = tpu.memref_slice %arg4[%add3A] : memref<320000xf32, #tpu.memory_space<hbm>> -> memref<16000xf32, #tpu.memory_space<hbm>>
          %dma_wait3A_29 = tpu.memref_slice %arg4[%add3A] : memref<320000xf32, #tpu.memory_space<hbm>> -> memref<16000xf32, #tpu.memory_space<hbm>>
          tpu.wait_dma2 semaphore(%run_scoped3A : memref<!tpu.dma_semaphore, #tpu.memory_space<semaphore_mem>>) src(%dma_wait3A_29 : memref<16000xf32, #tpu.memory_space<hbm>>) dst(%arg10 : memref<16000xf32, #tpu.memory_space<vmem>>)
          tpu.yield
        }) : () -> ()
        %parallel_loop3A_24 = arith.constant 0 : i32
        %parallel_loop3A_25 = arith.constant 16000 : i32
        %parallel_loop3A_26 = arith.constant 32 : i32
        scf.for %parallel_loop3A_28 = %parallel_loop3A_24 to %parallel_loop3A_25 step %parallel_loop3A_26  : i32 {
          %parallel_loop3A_29 = arith.constant 0 : i32
          %parallel_loop3A_30 = arith.addi %parallel_loop3A_28, %parallel_loop3A_29 : i32
          %parallel_loop3A_31 = arith.index_cast %parallel_loop3A_30 : i32 to index
          %parallel_loop3A_32 = tpu.vector_load %arg9[%parallel_loop3A_31] {strides = array<i32>} : memref<16000xi32, #tpu.memory_space<vmem>>, vector<16xi32>,
          %parallel_loop3A_33 = arith.constant 14 : i32
          %parallel_loop3A_34 = vector.broadcast %parallel_loop3A_33 : i32 to vector<16xi32>
          %parallel_loop3A_35 = arith.shrui %parallel_loop3A_32, %parallel_loop3A_34 : vector<16xi32>
          %parallel_loop3A_36 = arith.constant 16383 : i32
          %parallel_loop3A_37 = vector.broadcast %parallel_loop3A_36 : i32 to vector<16xi32>
          %parallel_loop3A_38 = arith.andi %parallel_loop3A_32, %parallel_loop3A_37 : vector<16xi32>
          %parallel_loop3A_39 = tpu.vector_load_idx %arg6[%parallel_loop3A_35] : memref<10000xf32, #tpu.memory_space<vmem>>[vector<16xi32>], vector<16xf32>,
          %parallel_loop3A_40 = arith.index_cast %parallel_loop3A_30 : i32 to index
          %parallel_loop3A_41 = tpu.vector_load %arg10[%parallel_loop3A_40] {strides = array<i32>} : memref<16000xf32, #tpu.memory_space<vmem>>, vector<16xf32>,
          %parallel_loop3A_42 = arith.mulf %parallel_loop3A_41, %parallel_loop3A_39 : vector<16xf32>
          tpu.vector_store_idx %arg7[%parallel_loop3A_38], %parallel_loop3A_42 {add = true} : memref<10000xf32, #tpu.memory_space<vmem>>[vector<16xi32>], vector<16xf32>,
          %parallel_loop3A_43 = arith.constant 16 : i32
          %parallel_loop3A_44 = arith.addi %parallel_loop3A_28, %parallel_loop3A_43 : i32
          %parallel_loop3A_45 = arith.index_cast %parallel_loop3A_44 : i32 to index
          %parallel_loop3A_46 = tpu.vector_load %arg9[%parallel_loop3A_45] {strides = array<i32>} : memref<16000xi32, #tpu.memory_space<vmem>>, vector<16xi32>,
          %parallel_loop3A_47 = arith.constant 14 : i32
          %parallel_loop3A_48 = vector.broadcast %parallel_loop3A_47 : i32 to vector<16xi32>
          %parallel_loop3A_49 = arith.shrui %parallel_loop3A_46, %parallel_loop3A_48 : vector<16xi32>
          %parallel_loop3A_50 = arith.constant 16383 : i32
          %parallel_loop3A_51 = vector.broadcast %parallel_loop3A_50 : i32 to vector<16xi32>
          %parallel_loop3A_52 = arith.andi %parallel_loop3A_46, %parallel_loop3A_51 : vector<16xi32>
          %parallel_loop3A_53 = tpu.vector_load_idx %arg6[%parallel_loop3A_49] : memref<10000xf32, #tpu.memory_space<vmem>>[vector<16xi32>], vector<16xf32>,
          %parallel_loop3A_54 = arith.index_cast %parallel_loop3A_44 : i32 to index
          %parallel_loop3A_55 = tpu.vector_load %arg10[%parallel_loop3A_54] {strides = array<i32>} : memref<16000xf32, #tpu.memory_space<vmem>>, vector<16xf32>,
          %parallel_loop3A_56 = arith.mulf %parallel_loop3A_55, %parallel_loop3A_53 : vector<16xf32>
          tpu.vector_store_idx %arg8[%parallel_loop3A_52], %parallel_loop3A_56 {add = true} : memref<10000xf32, #tpu.memory_space<vmem>>[vector<16xi32>], vector<16xf32>,
        } {sc.loop_unroll_factor = 8 : i64, sc.parallel_access}
        %scan3A_27 = arith.constant 0 : i32
        scf.yield %scan3A_27 : i32
      }
      %scan3A_16 = arith.constant 10 : i32
      %parallel_loop3A_17 = arith.constant 0 : i32
      %parallel_loop3A_18 = arith.constant 10000 : i32
      %parallel_loop3A_19 = arith.constant 16 : i32
      scf.for %parallel_loop3A_20 = %parallel_loop3A_17 to %parallel_loop3A_18 step %parallel_loop3A_19  : i32 {
        %parallel_loop3A_21 = arith.index_cast %parallel_loop3A_20 : i32 to index
        %parallel_loop3A_22 = tpu.vector_load %arg7[%parallel_loop3A_21] {strides = array<i32>} : memref<10000xf32, #tpu.memory_space<vmem>>, vector<16xf32>,
        %parallel_loop3A_23 = arith.index_cast %parallel_loop3A_20 : i32 to index
        %parallel_loop3A_24 = tpu.vector_load %arg8[%parallel_loop3A_23] {strides = array<i32>} : memref<10000xf32, #tpu.memory_space<vmem>>, vector<16xf32>,
        %parallel_loop3A_25 = arith.addf %parallel_loop3A_22, %parallel_loop3A_24 : vector<16xf32>
        %parallel_loop3A_26 = arith.index_cast %parallel_loop3A_20 : i32 to index
        %parallel_loop3A_27 = tpu.vector_load %arg7[%parallel_loop3A_26] {strides = array<i32>} : memref<10000xf32, #tpu.memory_space<vmem>>, vector<16xf32>,
        tpu.vector_store %arg7[%parallel_loop3A_26], %parallel_loop3A_25 {strides = array<i32>} : memref<10000xf32, #tpu.memory_space<vmem>>, vector<16xf32>,
      } {sc.loop_unroll_factor = 8 : i64, sc.parallel_access}
      "tpu.region"() ({
        %run_scoped3A = tpu.sem_alloc : memref<!tpu.dma_semaphore, #tpu.memory_space<semaphore_mem>>
        %dma_start3A = arith.constant 0 : i32
        %dma_start3A_20 = tpu.memref_slice %arg5[%arg1, %arg0, %dma_start3A] : memref<12x2x10000xf32, #tpu.memory_space<hbm>> -> memref<1x1x10000xf32, #tpu.memory_space<hbm>>
        %dma_start3A_21 = tpu.memref_squeeze %dma_start3A_20 : memref<1x1x10000xf32, #tpu.memory_space<hbm>> -> memref<10000xf32, #tpu.memory_space<hbm>>
        %dma_start3A_22 = arith.constant 0 : i32
        %dma_start3A_23 = tpu.memref_slice %arg5[%arg1, %arg0, %dma_start3A_22] : memref<12x2x10000xf32, #tpu.memory_space<hbm>> -> memref<1x1x10000xf32, #tpu.memory_space<hbm>>
        %dma_start3A_24 = tpu.memref_squeeze %dma_start3A_23 : memref<1x1x10000xf32, #tpu.memory_space<hbm>> -> memref<10000xf32, #tpu.memory_space<hbm>>
        tpu.enqueue_dma source(%arg7 : memref<10000xf32, #tpu.memory_space<vmem>>) target(%dma_start3A_24 : memref<10000xf32, #tpu.memory_space<hbm>>) target_semaphore(%run_scoped3A : memref<!tpu.dma_semaphore, #tpu.memory_space<semaphore_mem>>)
        %dma_wait3A = arith.constant 0 : i32
        %dma_wait3A_25 = tpu.memref_slice %arg5[%arg1, %arg0, %dma_wait3A] : memref<12x2x10000xf32, #tpu.memory_space<hbm>> -> memref<1x1x10000xf32, #tpu.memory_space<hbm>>
        %dma_wait3A_26 = tpu.memref_squeeze %dma_wait3A_25 : memref<1x1x10000xf32, #tpu.memory_space<hbm>> -> memref<10000xf32, #tpu.memory_space<hbm>>
        %dma_wait3A_27 = arith.constant 0 : i32
        %dma_wait3A_28 = tpu.memref_slice %arg5[%arg1, %arg0, %dma_wait3A_27] : memref<12x2x10000xf32, #tpu.memory_space<hbm>> -> memref<1x1x10000xf32, #tpu.memory_space<hbm>>
        %dma_wait3A_29 = tpu.memref_squeeze %dma_wait3A_28 : memref<1x1x10000xf32, #tpu.memory_space<hbm>> -> memref<10000xf32, #tpu.memory_space<hbm>>
        tpu.wait_dma2 semaphore(%run_scoped3A : memref<!tpu.dma_semaphore, #tpu.memory_space<semaphore_mem>>) src(%arg7 : memref<10000xf32, #tpu.memory_space<vmem>>) dst(%dma_wait3A_29 : memref<10000xf32, #tpu.memory_space<hbm>>)
        tpu.yield
      }) : () -> ()
    } else {
    }
    return
  }
}

module attributes {stable_mosaic.version = 14 : i64} {
  func.func @_tc_prep_body(%arg0: memref<32x10000xf32, #tpu.memory_space<vmem>>, %arg1: memref<12x10000xf32, #tpu.memory_space<vmem>>, %arg2: memref<12x10000xf32, #tpu.memory_space<vmem>>, %arg3: memref<1x10000xf32, #tpu.memory_space<vmem>>) attributes {dimension_semantics = [], scalar_prefetch = 0 : i64, scratch_operands = 0 : i64, tpu.core_type = #tpu.core_type<tc>} {
    %get3A = arith.constant 0 : index
    %get3A_0 = arith.constant 0 : index
    %get3A_1 = vector.load %arg0[%get3A, %get3A_0] : memref<32x10000xf32, #tpu.memory_space<vmem>>, vector<32x10000xf32>
    %reduce_sum3A = arith.constant dense<0.000000e+00> : vector<10000xf32>
    %reduce_sum3A_2 = vector.multi_reduction <add>, %get3A_1, %reduce_sum3A [0] : vector<32x10000xf32> to vector<10000xf32>
    %broadcast_in_dim3A = vector.shape_cast %reduce_sum3A_2 : vector<10000xf32> to vector<1x10000xf32>
    %add3A = arith.constant 1.000000e+00 : f32
    %add3A_3 = vector.broadcast %add3A : f32 to vector<1x10000xf32>
    %add3A_4 = arith.addf %broadcast_in_dim3A, %add3A_3 : vector<1x10000xf32>
    %sqrt3A = math.sqrt %add3A_4 : vector<1x10000xf32>
    %div3A = arith.constant 1.000000e+00 : f32
    %div3A_5 = vector.broadcast %div3A : f32 to vector<1x10000xf32>
    %div3A_6 = arith.divf %div3A_5, %sqrt3A : vector<1x10000xf32>
    %swap3A = arith.constant 0 : index
    %swap3A_7 = arith.constant 0 : index
    %swap3A_8 = vector.load %arg3[%swap3A, %swap3A_7] : memref<1x10000xf32, #tpu.memory_space<vmem>>, vector<1x10000xf32>
    tpu.vector_store %arg3[%swap3A, %swap3A_7], %div3A_6 {strides = array<i32>} : memref<1x10000xf32, #tpu.memory_space<vmem>>, vector<1x10000xf32>,
    %get3A_9 = arith.constant 0 : index
    %get3A_10 = arith.constant 0 : index
    %get3A_11 = vector.load %arg1[%get3A_9, %get3A_10] : memref<12x10000xf32, #tpu.memory_space<vmem>>, vector<12x10000xf32>
    %mul3A = vector.broadcast %div3A_6 : vector<1x10000xf32> to vector<12x10000xf32>
    %mul3A_12 = arith.mulf %get3A_11, %mul3A : vector<12x10000xf32>
    %swap3A_13 = arith.constant 0 : index
    %swap3A_14 = arith.constant 0 : index
    %swap3A_15 = vector.load %arg2[%swap3A_13, %swap3A_14] : memref<12x10000xf32, #tpu.memory_space<vmem>>, vector<12x10000xf32>
    tpu.vector_store %arg2[%swap3A_13, %swap3A_14], %mul3A_12 {strides = array<i32>} : memref<12x10000xf32, #tpu.memory_space<vmem>>, vector<12x10000xf32>,
    return
  }
}

module attributes {stable_mosaic.version = 14 : i64} {
  func.func @_tc_gru_body(%arg0: i32, %arg1: memref<12x2x2048xf32, #tpu.memory_space<vmem>>, %arg2: memref<12x2048xf32, #tpu.memory_space<vmem>>, %arg3: memref<1x2048xf32, #tpu.memory_space<vmem>>, %arg4: memref<1x128xf32, #tpu.memory_space<vmem>>, %arg5: memref<256x128xf32, #tpu.memory_space<vmem>>, %arg6: memref<1x128xf32, #tpu.memory_space<vmem>>, %arg7: memref<1x128xf32, #tpu.memory_space<vmem>>, %arg8: memref<256x128xf32, #tpu.memory_space<vmem>>, %arg9: memref<1x128xf32, #tpu.memory_space<vmem>>, %arg10: memref<1x128xf32, #tpu.memory_space<vmem>>, %arg11: memref<256x128xf32, #tpu.memory_space<vmem>>, %arg12: memref<1x128xf32, #tpu.memory_space<vmem>>, %arg13: memref<1x128xf32, #tpu.memory_space<vmem>>, %arg14: memref<1x128xf32, #tpu.memory_space<vmem>>, %arg15: memref<1x128xf32, #tpu.memory_space<vmem>>, %arg16: memref<1x12xf32, #tpu.memory_space<vmem>>, %arg17: memref<128x1xf32, #tpu.memory_space<vmem>>, %arg18: memref<1x1xf32, #tpu.memory_space<vmem>>, %arg19: memref<2048x1xf32, #tpu.memory_space<vmem>>) attributes {dimension_semantics = [#tpu.dimension_semantics<arbitrary>], iteration_bounds = array<i64: 5>, scalar_prefetch = 0 : i64, scratch_operands = 0 : i64, tpu.core_type = #tpu.core_type<tc>, window_params = [{transform_indices = @transform_0, window_bounds = array<i64: 12, 2, 2048>}, {transform_indices = @transform_1, window_bounds = array<i64: 12, 2048>}, {transform_indices = @transform_2, window_bounds = array<i64: 1, 2048>}, {pipeline_mode = #tpu.pipeline_mode<synchronous>, transform_indices = @transform_3, window_bounds = array<i64: 1, 128>}, {pipeline_mode = #tpu.pipeline_mode<synchronous>, transform_indices = @transform_4, window_bounds = array<i64: 256, 128>}, {pipeline_mode = #tpu.pipeline_mode<synchronous>, transform_indices = @transform_5, window_bounds = array<i64: 1, 128>}, {pipeline_mode = #tpu.pipeline_mode<synchronous>, transform_indices = @transform_6, window_bounds = array<i64: 1, 128>}, {pipeline_mode = #tpu.pipeline_mode<synchronous>, transform_indices = @transform_7, window_bounds = array<i64: 256, 128>}, {pipeline_mode = #tpu.pipeline_mode<synchronous>, transform_indices = @transform_8, window_bounds = array<i64: 1, 128>}, {pipeline_mode = #tpu.pipeline_mode<synchronous>, transform_indices = @transform_9, window_bounds = array<i64: 1, 128>}, {pipeline_mode = #tpu.pipeline_mode<synchronous>, transform_indices = @transform_10, window_bounds = array<i64: 256, 128>}, {pipeline_mode = #tpu.pipeline_mode<synchronous>, transform_indices = @transform_11, window_bounds = array<i64: 1, 128>}, {pipeline_mode = #tpu.pipeline_mode<synchronous>, transform_indices = @transform_12, window_bounds = array<i64: 1, 128>}, {pipeline_mode = #tpu.pipeline_mode<synchronous>, transform_indices = @transform_13, window_bounds = array<i64: 1, 128>}, {pipeline_mode = #tpu.pipeline_mode<synchronous>, transform_indices = @transform_14, window_bounds = array<i64: 1, 128>}, {pipeline_mode = #tpu.pipeline_mode<synchronous>, transform_indices = @transform_15, window_bounds = array<i64: 1, 12>}, {pipeline_mode = #tpu.pipeline_mode<synchronous>, transform_indices = @transform_16, window_bounds = array<i64: 128, 1>}, {pipeline_mode = #tpu.pipeline_mode<synchronous>, transform_indices = @transform_17, window_bounds = array<i64: 1, 1>}, {transform_indices = @transform_18, window_bounds = array<i64: 2048, 1>}]} {
    %get3A = arith.constant 0 : index
    %get3A_0 = arith.constant 0 : index
    %get3A_1 = arith.constant 0 : index
    %get3A_2 = vector.load %arg1[%get3A, %get3A_0, %get3A_1] : memref<12x2x2048xf32, #tpu.memory_space<vmem>>, vector<12x1x2048xf32>
    %get3A_3 = vector.shape_cast %get3A_2 : vector<12x1x2048xf32> to vector<12x2048xf32>
    %get3A_4 = arith.constant 0 : index
    %get3A_5 = arith.constant 1 : index
    %get3A_6 = arith.constant 0 : index
    %get3A_7 = vector.load %arg1[%get3A_4, %get3A_5, %get3A_6] : memref<12x2x2048xf32, #tpu.memory_space<vmem>>, vector<12x1x2048xf32>
    %get3A_8 = vector.shape_cast %get3A_7 : vector<12x1x2048xf32> to vector<12x2048xf32>
    %add3A = arith.addf %get3A_3, %get3A_8 : vector<12x2048xf32>
    %get3A_9 = arith.constant 0 : index
    %get3A_10 = arith.constant 0 : index
    %get3A_11 = vector.load %arg3[%get3A_9, %get3A_10] : memref<1x2048xf32, #tpu.memory_space<vmem>>, vector<1x2048xf32>
    %get3A_12 = arith.constant 0 : index
    %get3A_13 = arith.constant 0 : index
    %get3A_14 = vector.load %arg2[%get3A_12, %get3A_13] : memref<12x2048xf32, #tpu.memory_space<vmem>>, vector<12x2048xf32>
    %add3A_15 = arith.addf %add3A, %get3A_14 : vector<12x2048xf32>
    %mul3A = vector.broadcast %get3A_11 : vector<1x2048xf32> to vector<12x2048xf32>
    %mul3A_16 = arith.mulf %mul3A, %add3A_15 : vector<12x2048xf32>
    %get3A_17 = arith.constant 0 : index
    %get3A_18 = arith.constant 0 : index
    %get3A_19 = vector.load %arg16[%get3A_17, %get3A_18] : memref<1x12xf32, #tpu.memory_space<vmem>>, vector<1x12xf32>
    %reduce_max3A = vector.shape_cast %get3A_19 : vector<1x12xf32> to vector<1x1x12xf32>
    %reduce_max3A_20 = arith.constant dense<0xFF800000> : vector<1xf32>
    %reduce_max3A_21 = vector.multi_reduction <maximumf>, %reduce_max3A, %reduce_max3A_20 [1, 2] : vector<1x1x12xf32> to vector<1xf32>
    %reduce_max3A_22 = vector.shape_cast %reduce_max3A_21 : vector<1xf32> to vector<1x1x1xf32>
    %reduce_max3A_23 = vector.extract %reduce_max3A_22[0, 0, 0] : f32 from vector<1x1x1xf32>
    %sub3A = vector.broadcast %reduce_max3A_23 : f32 to vector<1x12xf32>
    %sub3A_24 = arith.subf %get3A_19, %sub3A : vector<1x12xf32>
    %exp3A = math.exp %sub3A_24 : vector<1x12xf32>
    %reduce_sum3A = vector.shape_cast %exp3A : vector<1x12xf32> to vector<1x1x12xf32>
    %reduce_sum3A_25 = arith.constant dense<0.000000e+00> : vector<1xf32>
    %reduce_sum3A_26 = vector.multi_reduction <add>, %reduce_sum3A, %reduce_sum3A_25 [1, 2] : vector<1x1x12xf32> to vector<1xf32>
    %reduce_sum3A_27 = vector.shape_cast %reduce_sum3A_26 : vector<1xf32> to vector<1x1x1xf32>
    %reduce_sum3A_28 = vector.extract %reduce_sum3A_27[0, 0, 0] : f32 from vector<1x1x1xf32>
    %div3A = vector.broadcast %reduce_sum3A_28 : f32 to vector<1x12xf32>
    %div3A_29 = arith.divf %exp3A, %div3A : vector<1x12xf32>
    %get3A_30 = arith.constant 0 : index
    %get3A_31 = arith.constant 0 : index
    %get3A_32 = vector.load %arg4[%get3A_30, %get3A_31] : memref<1x128xf32, #tpu.memory_space<vmem>>, vector<1x128xf32>
    %get3A_33 = arith.constant 0 : index
    %get3A_34 = arith.constant 0 : index
    %get3A_35 = vector.load %arg7[%get3A_33, %get3A_34] : memref<1x128xf32, #tpu.memory_space<vmem>>, vector<1x128xf32>
    %get3A_36 = arith.constant 0 : index
    %get3A_37 = arith.constant 0 : index
    %get3A_38 = vector.load %arg10[%get3A_36, %get3A_37] : memref<1x128xf32, #tpu.memory_space<vmem>>, vector<1x128xf32>
    %get3A_39 = arith.constant 0 : index
    %get3A_40 = arith.constant 0 : index
    %get3A_41 = vector.load %arg13[%get3A_39, %get3A_40] : memref<1x128xf32, #tpu.memory_space<vmem>>, vector<1x128xf32>
    %get3A_42 = arith.constant 0 : index
    %get3A_43 = arith.constant 0 : index
    %get3A_44 = vector.load %arg14[%get3A_42, %get3A_43] : memref<1x128xf32, #tpu.memory_space<vmem>>, vector<1x128xf32>
    %get3A_45 = arith.constant 0 : index
    %get3A_46 = arith.constant 0 : index
    %get3A_47 = vector.load %arg15[%get3A_45, %get3A_46] : memref<1x128xf32, #tpu.memory_space<vmem>>, vector<1x128xf32>
    %get3A_48 = arith.constant 0 : index
    %get3A_49 = arith.constant 0 : index
    %get3A_50 = vector.load %arg5[%get3A_48, %get3A_49] : memref<256x128xf32, #tpu.memory_space<vmem>>, vector<256x128xf32>
    %get3A_51 = arith.constant 0 : index
    %get3A_52 = arith.constant 0 : index
    %get3A_53 = vector.load %arg8[%get3A_51, %get3A_52] : memref<256x128xf32, #tpu.memory_space<vmem>>, vector<256x128xf32>
    %get3A_54 = arith.constant 0 : index
    %get3A_55 = arith.constant 0 : index
    %get3A_56 = vector.load %arg11[%get3A_54, %get3A_55] : memref<256x128xf32, #tpu.memory_space<vmem>>, vector<256x128xf32>
    %slice3A = vector.extract_strided_slice %get3A_50 {offsets = [128, 0], sizes = [128, 128], strides = [1, 1]} : vector<256x128xf32> to vector<128x128xf32>
    %slice3A_57 = vector.extract_strided_slice %get3A_53 {offsets = [128, 0], sizes = [128, 128], strides = [1, 1]} : vector<256x128xf32> to vector<128x128xf32>
    %concatenate3A = tpu.concatenate %slice3A, %slice3A_57 in 1 : vector<128x128xf32>, vector<128x128xf32> -> vector<128x256xf32>
    %get3A_58 = arith.constant 0 : index
    %get3A_59 = arith.constant 0 : index
    %get3A_60 = vector.load %arg6[%get3A_58, %get3A_59] : memref<1x128xf32, #tpu.memory_space<vmem>>, vector<1x128xf32>
    %get3A_61 = arith.constant 0 : index
    %get3A_62 = arith.constant 0 : index
    %get3A_63 = vector.load %arg9[%get3A_61, %get3A_62] : memref<1x128xf32, #tpu.memory_space<vmem>>, vector<1x128xf32>
    %concatenate3A_64 = tpu.concatenate %get3A_60, %get3A_63 in 1 : vector<1x128xf32>, vector<1x128xf32> -> vector<1x256xf32>
    %iota3A = tpu.iota {dimensions = array<i32: 0>} : vector<12x12xi32>
    %iota3A_65 = tpu.iota {dimensions = array<i32: 1>} : vector<12x12xi32>
    %eq3A = arith.cmpi eq, %iota3A, %iota3A_65 : vector<12x12xi32>
    %convert_element_type3A = arith.extui %eq3A : vector<12x12xi1> to vector<12x12xi32>
    %convert_element_type3A_66 = arith.sitofp %convert_element_type3A : vector<12x12xi32> to vector<12x12xf32>
    %dot_general3A = arith.constant dense<0.000000e+00> : vector<2048x12xf32>
    %dot_general3A_67 = tpu.matmul %mul3A_16, %convert_element_type3A_66, %dot_general3A {dimension_numbers = #tpu.dot_dimension_numbers<[0], [0], [1], [1], [0, 1, 1, 1], [], []>, precision = #tpu.contract_precision<fp32>, transpose_lhs_hint = false} : vector<12x2048xf32>, vector<12x12xf32>, vector<2048x12xf32> -> vector<2048x12xf32>
    %broadcast_in_dim3A = arith.constant 0.000000e+00 : f32
    %broadcast_in_dim3A_68 = vector.broadcast %broadcast_in_dim3A : f32 to vector<2048x128xf32>
    %broadcast_in_dim3A_69 = arith.constant 0.000000e+00 : f32
    %broadcast_in_dim3A_70 = vector.broadcast %broadcast_in_dim3A_69 : f32 to vector<2048x128xf32>
    %slice3A_71 = vector.extract_strided_slice %dot_general3A_67 {offsets = [0, 0], sizes = [2048, 1], strides = [1, 1]} : vector<2048x12xf32> to vector<2048x1xf32>
    %mul3A_72 = vector.broadcast %slice3A_71 : vector<2048x1xf32> to vector<2048x128xf32>
    %mul3A_73 = vector.broadcast %get3A_32 : vector<1x128xf32> to vector<2048x128xf32>
    %mul3A_74 = arith.mulf %mul3A_72, %mul3A_73 : vector<2048x128xf32>
    %add3A_75 = vector.broadcast %get3A_41 : vector<1x128xf32> to vector<2048x128xf32>
    %add3A_76 = arith.addf %mul3A_74, %add3A_75 : vector<2048x128xf32>
    %mul3A_77 = vector.broadcast %slice3A_71 : vector<2048x1xf32> to vector<2048x128xf32>
    %mul3A_78 = vector.broadcast %get3A_35 : vector<1x128xf32> to vector<2048x128xf32>
    %mul3A_79 = arith.mulf %mul3A_77, %mul3A_78 : vector<2048x128xf32>
    %add3A_80 = vector.broadcast %get3A_44 : vector<1x128xf32> to vector<2048x128xf32>
    %add3A_81 = arith.addf %mul3A_79, %add3A_80 : vector<2048x128xf32>
    %mul3A_82 = vector.broadcast %slice3A_71 : vector<2048x1xf32> to vector<2048x128xf32>
    %mul3A_83 = vector.broadcast %get3A_38 : vector<1x128xf32> to vector<2048x128xf32>
    %mul3A_84 = arith.mulf %mul3A_82, %mul3A_83 : vector<2048x128xf32>
    %add3A_85 = vector.broadcast %get3A_47 : vector<1x128xf32> to vector<2048x128xf32>
    %add3A_86 = arith.addf %mul3A_84, %add3A_85 : vector<2048x128xf32>
    %slice3A_87 = vector.extract_strided_slice %get3A_50 {offsets = [0, 0], sizes = [128, 128], strides = [1, 1]} : vector<256x128xf32> to vector<128x128xf32>
    %dot_general3A_88 = arith.constant dense<0.000000e+00> : vector<2048x128xf32>
    %dot_general3A_89 = tpu.matmul %add3A_76, %slice3A_87, %dot_general3A_88 {dimension_numbers = #tpu.dot_dimension_numbers<[1], [0], [0], [1], [0, 0, 1, 1], [], []>, transpose_lhs_hint = false} : vector<2048x128xf32>, vector<128x128xf32>, vector<2048x128xf32> -> vector<2048x128xf32>
    %slice3A_90 = vector.extract_strided_slice %get3A_53 {offsets = [0, 0], sizes = [128, 128], strides = [1, 1]} : vector<256x128xf32> to vector<128x128xf32>
    %dot_general3A_91 = arith.constant dense<0.000000e+00> : vector<2048x128xf32>
    %dot_general3A_92 = tpu.matmul %add3A_81, %slice3A_90, %dot_general3A_91 {dimension_numbers = #tpu.dot_dimension_numbers<[1], [0], [0], [1], [0, 0, 1, 1], [], []>, transpose_lhs_hint = false} : vector<2048x128xf32>, vector<128x128xf32>, vector<2048x128xf32> -> vector<2048x128xf32>
    %concatenate3A_93 = tpu.concatenate %dot_general3A_89, %dot_general3A_92 in 1 : vector<2048x128xf32>, vector<2048x128xf32> -> vector<2048x256xf32>
    %dot_general3A_94 = arith.constant dense<0.000000e+00> : vector<2048x256xf32>
    %dot_general3A_95 = tpu.matmul %broadcast_in_dim3A_68, %concatenate3A, %dot_general3A_94 {dimension_numbers = #tpu.dot_dimension_numbers<[1], [0], [0], [1], [0, 0, 1, 1], [], []>, transpose_lhs_hint = false} : vector<2048x128xf32>, vector<128x256xf32>, vector<2048x256xf32> -> vector<2048x256xf32>
    %add3A_96 = arith.addf %concatenate3A_93, %dot_general3A_95 : vector<2048x256xf32>
    %add3A_97 = vector.broadcast %concatenate3A_64 : vector<1x256xf32> to vector<2048x256xf32>
    %add3A_98 = arith.addf %add3A_96, %add3A_97 : vector<2048x256xf32>
    %logistic3A = arith.negf %add3A_98 : vector<2048x256xf32>
    %logistic3A_99 = math.exp %logistic3A : vector<2048x256xf32>
    %logistic3A_100 = arith.constant 1.000000e+00 : f32
    %logistic3A_101 = vector.broadcast %logistic3A_100 : f32 to vector<2048x256xf32>
    %logistic3A_102 = arith.addf %logistic3A_101, %logistic3A_99 : vector<2048x256xf32>
    %logistic3A_103 = arith.divf %logistic3A_101, %logistic3A_102 : vector<2048x256xf32>
    %slice3A_104 = vector.extract_strided_slice %logistic3A_103 {offsets = [0, 0], sizes = [2048, 128], strides = [1, 1]} : vector<2048x256xf32> to vector<2048x128xf32>
    %slice3A_105 = vector.extract_strided_slice %logistic3A_103 {offsets = [0, 128], sizes = [2048, 128], strides = [1, 1]} : vector<2048x256xf32> to vector<2048x128xf32>
    %slice3A_106 = vector.extract_strided_slice %get3A_56 {offsets = [0, 0], sizes = [128, 128], strides = [1, 1]} : vector<256x128xf32> to vector<128x128xf32>
    %dot_general3A_107 = arith.constant dense<0.000000e+00> : vector<2048x128xf32>
    %dot_general3A_108 = tpu.matmul %add3A_86, %slice3A_106, %dot_general3A_107 {dimension_numbers = #tpu.dot_dimension_numbers<[1], [0], [0], [1], [0, 0, 1, 1], [], []>, transpose_lhs_hint = false} : vector<2048x128xf32>, vector<128x128xf32>, vector<2048x128xf32> -> vector<2048x128xf32>
    %mul3A_109 = arith.mulf %broadcast_in_dim3A_68, %slice3A_105 : vector<2048x128xf32>
    %slice3A_110 = vector.extract_strided_slice %get3A_56 {offsets = [128, 0], sizes = [128, 128], strides = [1, 1]} : vector<256x128xf32> to vector<128x128xf32>
    %dot_general3A_111 = arith.constant dense<0.000000e+00> : vector<2048x128xf32>
    %dot_general3A_112 = tpu.matmul %mul3A_109, %slice3A_110, %dot_general3A_111 {dimension_numbers = #tpu.dot_dimension_numbers<[1], [0], [0], [1], [0, 0, 1, 1], [], []>, transpose_lhs_hint = false} : vector<2048x128xf32>, vector<128x128xf32>, vector<2048x128xf32> -> vector<2048x128xf32>
    %add3A_113 = arith.addf %dot_general3A_108, %dot_general3A_112 : vector<2048x128xf32>
    %get3A_114 = arith.constant 0 : index
    %get3A_115 = arith.constant 0 : index
    %get3A_116 = vector.load %arg12[%get3A_114, %get3A_115] : memref<1x128xf32, #tpu.memory_space<vmem>>, vector<1x128xf32>
    %add3A_117 = vector.broadcast %get3A_116 : vector<1x128xf32> to vector<2048x128xf32>
    %add3A_118 = arith.addf %add3A_113, %add3A_117 : vector<2048x128xf32>
    %tanh3A = math.tanh %add3A_118 : vector<2048x128xf32>
    %mul3A_119 = arith.mulf %slice3A_104, %broadcast_in_dim3A_68 : vector<2048x128xf32>
    %sub3A_120 = arith.constant 1.000000e+00 : f32
    %sub3A_121 = vector.broadcast %sub3A_120 : f32 to vector<2048x128xf32>
    %sub3A_122 = arith.subf %sub3A_121, %slice3A_104 : vector<2048x128xf32>
    %mul3A_123 = arith.mulf %sub3A_122, %tanh3A : vector<2048x128xf32>
    %add3A_124 = arith.addf %mul3A_119, %mul3A_123 : vector<2048x128xf32>
    %slice3A_125 = vector.extract_strided_slice %div3A_29 {offsets = [0, 0], sizes = [1, 1], strides = [1, 1]} : vector<1x12xf32> to vector<1x1xf32>
    %squeeze3A = vector.extract %slice3A_125[0, 0] : f32 from vector<1x1xf32>
    %mul3A_126 = vector.broadcast %squeeze3A : f32 to vector<2048x128xf32>
    %mul3A_127 = arith.mulf %mul3A_126, %add3A_124 : vector<2048x128xf32>
    %add3A_128 = arith.addf %broadcast_in_dim3A_70, %mul3A_127 : vector<2048x128xf32>
    %slice3A_129 = vector.extract_strided_slice %dot_general3A_67 {offsets = [0, 1], sizes = [2048, 1], strides = [1, 1]} : vector<2048x12xf32> to vector<2048x1xf32>
    %mul3A_130 = vector.broadcast %slice3A_129 : vector<2048x1xf32> to vector<2048x128xf32>
    %mul3A_131 = vector.broadcast %get3A_32 : vector<1x128xf32> to vector<2048x128xf32>
    %mul3A_132 = arith.mulf %mul3A_130, %mul3A_131 : vector<2048x128xf32>
    %add3A_133 = vector.broadcast %get3A_41 : vector<1x128xf32> to vector<2048x128xf32>
    %add3A_134 = arith.addf %mul3A_132, %add3A_133 : vector<2048x128xf32>
    %mul3A_135 = vector.broadcast %slice3A_129 : vector<2048x1xf32> to vector<2048x128xf32>
    %mul3A_136 = vector.broadcast %get3A_35 : vector<1x128xf32> to vector<2048x128xf32>
    %mul3A_137 = arith.mulf %mul3A_135, %mul3A_136 : vector<2048x128xf32>
    %add3A_138 = vector.broadcast %get3A_44 : vector<1x128xf32> to vector<2048x128xf32>
    %add3A_139 = arith.addf %mul3A_137, %add3A_138 : vector<2048x128xf32>
    %mul3A_140 = vector.broadcast %slice3A_129 : vector<2048x1xf32> to vector<2048x128xf32>
    %mul3A_141 = vector.broadcast %get3A_38 : vector<1x128xf32> to vector<2048x128xf32>
    %mul3A_142 = arith.mulf %mul3A_140, %mul3A_141 : vector<2048x128xf32>
    %add3A_143 = vector.broadcast %get3A_47 : vector<1x128xf32> to vector<2048x128xf32>
    %add3A_144 = arith.addf %mul3A_142, %add3A_143 : vector<2048x128xf32>
    %slice3A_145 = vector.extract_strided_slice %get3A_50 {offsets = [0, 0], sizes = [128, 128], strides = [1, 1]} : vector<256x128xf32> to vector<128x128xf32>
    %dot_general3A_146 = arith.constant dense<0.000000e+00> : vector<2048x128xf32>
    %dot_general3A_147 = tpu.matmul %add3A_134, %slice3A_145, %dot_general3A_146 {dimension_numbers = #tpu.dot_dimension_numbers<[1], [0], [0], [1], [0, 0, 1, 1], [], []>, transpose_lhs_hint = false} : vector<2048x128xf32>, vector<128x128xf32>, vector<2048x128xf32> -> vector<2048x128xf32>
    %slice3A_148 = vector.extract_strided_slice %get3A_53 {offsets = [0, 0], sizes = [128, 128], strides = [1, 1]} : vector<256x128xf32> to vector<128x128xf32>
    %dot_general3A_149 = arith.constant dense<0.000000e+00> : vector<2048x128xf32>
    %dot_general3A_150 = tpu.matmul %add3A_139, %slice3A_148, %dot_general3A_149 {dimension_numbers = #tpu.dot_dimension_numbers<[1], [0], [0], [1], [0, 0, 1, 1], [], []>, transpose_lhs_hint = false} : vector<2048x128xf32>, vector<128x128xf32>, vector<2048x128xf32> -> vector<2048x128xf32>
    %concatenate3A_151 = tpu.concatenate %dot_general3A_147, %dot_general3A_150 in 1 : vector<2048x128xf32>, vector<2048x128xf32> -> vector<2048x256xf32>
    %dot_general3A_152 = arith.constant dense<0.000000e+00> : vector<2048x256xf32>
    %dot_general3A_153 = tpu.matmul %add3A_124, %concatenate3A, %dot_general3A_152 {dimension_numbers = #tpu.dot_dimension_numbers<[1], [0], [0], [1], [0, 0, 1, 1], [], []>, transpose_lhs_hint = false} : vector<2048x128xf32>, vector<128x256xf32>, vector<2048x256xf32> -> vector<2048x256xf32>
    %add3A_154 = arith.addf %concatenate3A_151, %dot_general3A_153 : vector<2048x256xf32>
    %add3A_155 = vector.broadcast %concatenate3A_64 : vector<1x256xf32> to vector<2048x256xf32>
    %add3A_156 = arith.addf %add3A_154, %add3A_155 : vector<2048x256xf32>
    %logistic3A_157 = arith.negf %add3A_156 : vector<2048x256xf32>
    %logistic3A_158 = math.exp %logistic3A_157 : vector<2048x256xf32>
    %logistic3A_159 = arith.constant 1.000000e+00 : f32
    %logistic3A_160 = vector.broadcast %logistic3A_159 : f32 to vector<2048x256xf32>
    %logistic3A_161 = arith.addf %logistic3A_160, %logistic3A_158 : vector<2048x256xf32>
    %logistic3A_162 = arith.divf %logistic3A_160, %logistic3A_161 : vector<2048x256xf32>
    %slice3A_163 = vector.extract_strided_slice %logistic3A_162 {offsets = [0, 0], sizes = [2048, 128], strides = [1, 1]} : vector<2048x256xf32> to vector<2048x128xf32>
    %slice3A_164 = vector.extract_strided_slice %logistic3A_162 {offsets = [0, 128], sizes = [2048, 128], strides = [1, 1]} : vector<2048x256xf32> to vector<2048x128xf32>
    %slice3A_165 = vector.extract_strided_slice %get3A_56 {offsets = [0, 0], sizes = [128, 128], strides = [1, 1]} : vector<256x128xf32> to vector<128x128xf32>
    %dot_general3A_166 = arith.constant dense<0.000000e+00> : vector<2048x128xf32>
    %dot_general3A_167 = tpu.matmul %add3A_144, %slice3A_165, %dot_general3A_166 {dimension_numbers = #tpu.dot_dimension_numbers<[1], [0], [0], [1], [0, 0, 1, 1], [], []>, transpose_lhs_hint = false} : vector<2048x128xf32>, vector<128x128xf32>, vector<2048x128xf32> -> vector<2048x128xf32>
    %mul3A_168 = arith.mulf %add3A_124, %slice3A_164 : vector<2048x128xf32>
    %slice3A_169 = vector.extract_strided_slice %get3A_56 {offsets = [128, 0], sizes = [128, 128], strides = [1, 1]} : vector<256x128xf32> to vector<128x128xf32>
    %dot_general3A_170 = arith.constant dense<0.000000e+00> : vector<2048x128xf32>
    %dot_general3A_171 = tpu.matmul %mul3A_168, %slice3A_169, %dot_general3A_170 {dimension_numbers = #tpu.dot_dimension_numbers<[1], [0], [0], [1], [0, 0, 1, 1], [], []>, transpose_lhs_hint = false} : vector<2048x128xf32>, vector<128x128xf32>, vector<2048x128xf32> -> vector<2048x128xf32>
    %add3A_172 = arith.addf %dot_general3A_167, %dot_general3A_171 : vector<2048x128xf32>
    %get3A_173 = arith.constant 0 : index
    %get3A_174 = arith.constant 0 : index
    %get3A_175 = vector.load %arg12[%get3A_173, %get3A_174] : memref<1x128xf32, #tpu.memory_space<vmem>>, vector<1x128xf32>
    %add3A_176 = vector.broadcast %get3A_175 : vector<1x128xf32> to vector<2048x128xf32>
    %add3A_177 = arith.addf %add3A_172, %add3A_176 : vector<2048x128xf32>
    %tanh3A_178 = math.tanh %add3A_177 : vector<2048x128xf32>
    %mul3A_179 = arith.mulf %slice3A_163, %add3A_124 : vector<2048x128xf32>
    %sub3A_180 = arith.constant 1.000000e+00 : f32
    %sub3A_181 = vector.broadcast %sub3A_180 : f32 to vector<2048x128xf32>
    %sub3A_182 = arith.subf %sub3A_181, %slice3A_163 : vector<2048x128xf32>
    %mul3A_183 = arith.mulf %sub3A_182, %tanh3A_178 : vector<2048x128xf32>
    %add3A_184 = arith.addf %mul3A_179, %mul3A_183 : vector<2048x128xf32>
    %slice3A_185 = vector.extract_strided_slice %div3A_29 {offsets = [0, 1], sizes = [1, 1], strides = [1, 1]} : vector<1x12xf32> to vector<1x1xf32>
    %squeeze3A_186 = vector.extract %slice3A_185[0, 0] : f32 from vector<1x1xf32>
    %mul3A_187 = vector.broadcast %squeeze3A_186 : f32 to vector<2048x128xf32>
    %mul3A_188 = arith.mulf %mul3A_187, %add3A_184 : vector<2048x128xf32>
    %add3A_189 = arith.addf %add3A_128, %mul3A_188 : vector<2048x128xf32>
    %slice3A_190 = vector.extract_strided_slice %dot_general3A_67 {offsets = [0, 2], sizes = [2048, 1], strides = [1, 1]} : vector<2048x12xf32> to vector<2048x1xf32>
    %mul3A_191 = vector.broadcast %slice3A_190 : vector<2048x1xf32> to vector<2048x128xf32>
    %mul3A_192 = vector.broadcast %get3A_32 : vector<1x128xf32> to vector<2048x128xf32>
    %mul3A_193 = arith.mulf %mul3A_191, %mul3A_192 : vector<2048x128xf32>
    %add3A_194 = vector.broadcast %get3A_41 : vector<1x128xf32> to vector<2048x128xf32>
    %add3A_195 = arith.addf %mul3A_193, %add3A_194 : vector<2048x128xf32>
    %mul3A_196 = vector.broadcast %slice3A_190 : vector<2048x1xf32> to vector<2048x128xf32>
    %mul3A_197 = vector.broadcast %get3A_35 : vector<1x128xf32> to vector<2048x128xf32>
    %mul3A_198 = arith.mulf %mul3A_196, %mul3A_197 : vector<2048x128xf32>
    %add3A_199 = vector.broadcast %get3A_44 : vector<1x128xf32> to vector<2048x128xf32>
    %add3A_200 = arith.addf %mul3A_198, %add3A_199 : vector<2048x128xf32>
    %mul3A_201 = vector.broadcast %slice3A_190 : vector<2048x1xf32> to vector<2048x128xf32>
    %mul3A_202 = vector.broadcast %get3A_38 : vector<1x128xf32> to vector<2048x128xf32>
    %mul3A_203 = arith.mulf %mul3A_201, %mul3A_202 : vector<2048x128xf32>
    %add3A_204 = vector.broadcast %get3A_47 : vector<1x128xf32> to vector<2048x128xf32>
    %add3A_205 = arith.addf %mul3A_203, %add3A_204 : vector<2048x128xf32>
    %slice3A_206 = vector.extract_strided_slice %get3A_50 {offsets = [0, 0], sizes = [128, 128], strides = [1, 1]} : vector<256x128xf32> to vector<128x128xf32>
    %dot_general3A_207 = arith.constant dense<0.000000e+00> : vector<2048x128xf32>
    %dot_general3A_208 = tpu.matmul %add3A_195, %slice3A_206, %dot_general3A_207 {dimension_numbers = #tpu.dot_dimension_numbers<[1], [0], [0], [1], [0, 0, 1, 1], [], []>, transpose_lhs_hint = false} : vector<2048x128xf32>, vector<128x128xf32>, vector<2048x128xf32> -> vector<2048x128xf32>
    %slice3A_209 = vector.extract_strided_slice %get3A_53 {offsets = [0, 0], sizes = [128, 128], strides = [1, 1]} : vector<256x128xf32> to vector<128x128xf32>
    %dot_general3A_210 = arith.constant dense<0.000000e+00> : vector<2048x128xf32>
    %dot_general3A_211 = tpu.matmul %add3A_200, %slice3A_209, %dot_general3A_210 {dimension_numbers = #tpu.dot_dimension_numbers<[1], [0], [0], [1], [0, 0, 1, 1], [], []>, transpose_lhs_hint = false} : vector<2048x128xf32>, vector<128x128xf32>, vector<2048x128xf32> -> vector<2048x128xf32>
    %concatenate3A_212 = tpu.concatenate %dot_general3A_208, %dot_general3A_211 in 1 : vector<2048x128xf32>, vector<2048x128xf32> -> vector<2048x256xf32>
    %dot_general3A_213 = arith.constant dense<0.000000e+00> : vector<2048x256xf32>
    %dot_general3A_214 = tpu.matmul %add3A_184, %concatenate3A, %dot_general3A_213 {dimension_numbers = #tpu.dot_dimension_numbers<[1], [0], [0], [1], [0, 0, 1, 1], [], []>, transpose_lhs_hint = false} : vector<2048x128xf32>, vector<128x256xf32>, vector<2048x256xf32> -> vector<2048x256xf32>
    %add3A_215 = arith.addf %concatenate3A_212, %dot_general3A_214 : vector<2048x256xf32>
    %add3A_216 = vector.broadcast %concatenate3A_64 : vector<1x256xf32> to vector<2048x256xf32>
    %add3A_217 = arith.addf %add3A_215, %add3A_216 : vector<2048x256xf32>
    %logistic3A_218 = arith.negf %add3A_217 : vector<2048x256xf32>
    %logistic3A_219 = math.exp %logistic3A_218 : vector<2048x256xf32>
    %logistic3A_220 = arith.constant 1.000000e+00 : f32
    %logistic3A_221 = vector.broadcast %logistic3A_220 : f32 to vector<2048x256xf32>
    %logistic3A_222 = arith.addf %logistic3A_221, %logistic3A_219 : vector<2048x256xf32>
    %logistic3A_223 = arith.divf %logistic3A_221, %logistic3A_222 : vector<2048x256xf32>
    %slice3A_224 = vector.extract_strided_slice %logistic3A_223 {offsets = [0, 0], sizes = [2048, 128], strides = [1, 1]} : vector<2048x256xf32> to vector<2048x128xf32>
    %slice3A_225 = vector.extract_strided_slice %logistic3A_223 {offsets = [0, 128], sizes = [2048, 128], strides = [1, 1]} : vector<2048x256xf32> to vector<2048x128xf32>
    %slice3A_226 = vector.extract_strided_slice %get3A_56 {offsets = [0, 0], sizes = [128, 128], strides = [1, 1]} : vector<256x128xf32> to vector<128x128xf32>
    %dot_general3A_227 = arith.constant dense<0.000000e+00> : vector<2048x128xf32>
    %dot_general3A_228 = tpu.matmul %add3A_205, %slice3A_226, %dot_general3A_227 {dimension_numbers = #tpu.dot_dimension_numbers<[1], [0], [0], [1], [0, 0, 1, 1], [], []>, transpose_lhs_hint = false} : vector<2048x128xf32>, vector<128x128xf32>, vector<2048x128xf32> -> vector<2048x128xf32>
    %mul3A_229 = arith.mulf %add3A_184, %slice3A_225 : vector<2048x128xf32>
    %slice3A_230 = vector.extract_strided_slice %get3A_56 {offsets = [128, 0], sizes = [128, 128], strides = [1, 1]} : vector<256x128xf32> to vector<128x128xf32>
    %dot_general3A_231 = arith.constant dense<0.000000e+00> : vector<2048x128xf32>
    %dot_general3A_232 = tpu.matmul %mul3A_229, %slice3A_230, %dot_general3A_231 {dimension_numbers = #tpu.dot_dimension_numbers<[1], [0], [0], [1], [0, 0, 1, 1], [], []>, transpose_lhs_hint = false} : vector<2048x128xf32>, vector<128x128xf32>, vector<2048x128xf32> -> vector<2048x128xf32>
    %add3A_233 = arith.addf %dot_general3A_228, %dot_general3A_232 : vector<2048x128xf32>
    %get3A_234 = arith.constant 0 : index
    %get3A_235 = arith.constant 0 : index
    %get3A_236 = vector.load %arg12[%get3A_234, %get3A_235] : memref<1x128xf32, #tpu.memory_space<vmem>>, vector<1x128xf32>
    %add3A_237 = vector.broadcast %get3A_236 : vector<1x128xf32> to vector<2048x128xf32>
    %add3A_238 = arith.addf %add3A_233, %add3A_237 : vector<2048x128xf32>
    %tanh3A_239 = math.tanh %add3A_238 : vector<2048x128xf32>
    %mul3A_240 = arith.mulf %slice3A_224, %add3A_184 : vector<2048x128xf32>
    %sub3A_241 = arith.constant 1.000000e+00 : f32
    %sub3A_242 = vector.broadcast %sub3A_241 : f32 to vector<2048x128xf32>
    %sub3A_243 = arith.subf %sub3A_242, %slice3A_224 : vector<2048x128xf32>
    %mul3A_244 = arith.mulf %sub3A_243, %tanh3A_239 : vector<2048x128xf32>
    %add3A_245 = arith.addf %mul3A_240, %mul3A_244 : vector<2048x128xf32>
    %slice3A_246 = vector.extract_strided_slice %div3A_29 {offsets = [0, 2], sizes = [1, 1], strides = [1, 1]} : vector<1x12xf32> to vector<1x1xf32>
    %squeeze3A_247 = vector.extract %slice3A_246[0, 0] : f32 from vector<1x1xf32>
    %mul3A_248 = vector.broadcast %squeeze3A_247 : f32 to vector<2048x128xf32>
    %mul3A_249 = arith.mulf %mul3A_248, %add3A_245 : vector<2048x128xf32>
    %add3A_250 = arith.addf %add3A_189, %mul3A_249 : vector<2048x128xf32>
    %slice3A_251 = vector.extract_strided_slice %dot_general3A_67 {offsets = [0, 3], sizes = [2048, 1], strides = [1, 1]} : vector<2048x12xf32> to vector<2048x1xf32>
    %mul3A_252 = vector.broadcast %slice3A_251 : vector<2048x1xf32> to vector<2048x128xf32>
    %mul3A_253 = vector.broadcast %get3A_32 : vector<1x128xf32> to vector<2048x128xf32>
    %mul3A_254 = arith.mulf %mul3A_252, %mul3A_253 : vector<2048x128xf32>
    %add3A_255 = vector.broadcast %get3A_41 : vector<1x128xf32> to vector<2048x128xf32>
    %add3A_256 = arith.addf %mul3A_254, %add3A_255 : vector<2048x128xf32>
    %mul3A_257 = vector.broadcast %slice3A_251 : vector<2048x1xf32> to vector<2048x128xf32>
    %mul3A_258 = vector.broadcast %get3A_35 : vector<1x128xf32> to vector<2048x128xf32>
    %mul3A_259 = arith.mulf %mul3A_257, %mul3A_258 : vector<2048x128xf32>
    %add3A_260 = vector.broadcast %get3A_44 : vector<1x128xf32> to vector<2048x128xf32>
    %add3A_261 = arith.addf %mul3A_259, %add3A_260 : vector<2048x128xf32>
    %mul3A_262 = vector.broadcast %slice3A_251 : vector<2048x1xf32> to vector<2048x128xf32>
    %mul3A_263 = vector.broadcast %get3A_38 : vector<1x128xf32> to vector<2048x128xf32>
    %mul3A_264 = arith.mulf %mul3A_262, %mul3A_263 : vector<2048x128xf32>
    %add3A_265 = vector.broadcast %get3A_47 : vector<1x128xf32> to vector<2048x128xf32>
    %add3A_266 = arith.addf %mul3A_264, %add3A_265 : vector<2048x128xf32>
    %slice3A_267 = vector.extract_strided_slice %get3A_50 {offsets = [0, 0], sizes = [128, 128], strides = [1, 1]} : vector<256x128xf32> to vector<128x128xf32>
    %dot_general3A_268 = arith.constant dense<0.000000e+00> : vector<2048x128xf32>
    %dot_general3A_269 = tpu.matmul %add3A_256, %slice3A_267, %dot_general3A_268 {dimension_numbers = #tpu.dot_dimension_numbers<[1], [0], [0], [1], [0, 0, 1, 1], [], []>, transpose_lhs_hint = false} : vector<2048x128xf32>, vector<128x128xf32>, vector<2048x128xf32> -> vector<2048x128xf32>
    %slice3A_270 = vector.extract_strided_slice %get3A_53 {offsets = [0, 0], sizes = [128, 128], strides = [1, 1]} : vector<256x128xf32> to vector<128x128xf32>
    %dot_general3A_271 = arith.constant dense<0.000000e+00> : vector<2048x128xf32>
    %dot_general3A_272 = tpu.matmul %add3A_261, %slice3A_270, %dot_general3A_271 {dimension_numbers = #tpu.dot_dimension_numbers<[1], [0], [0], [1], [0, 0, 1, 1], [], []>, transpose_lhs_hint = false} : vector<2048x128xf32>, vector<128x128xf32>, vector<2048x128xf32> -> vector<2048x128xf32>
    %concatenate3A_273 = tpu.concatenate %dot_general3A_269, %dot_general3A_272 in 1 : vector<2048x128xf32>, vector<2048x128xf32> -> vector<2048x256xf32>
    %dot_general3A_274 = arith.constant dense<0.000000e+00> : vector<2048x256xf32>
    %dot_general3A_275 = tpu.matmul %add3A_245, %concatenate3A, %dot_general3A_274 {dimension_numbers = #tpu.dot_dimension_numbers<[1], [0], [0], [1], [0, 0, 1, 1], [], []>, transpose_lhs_hint = false} : vector<2048x128xf32>, vector<128x256xf32>, vector<2048x256xf32> -> vector<2048x256xf32>
    %add3A_276 = arith.addf %concatenate3A_273, %dot_general3A_275 : vector<2048x256xf32>
    %add3A_277 = vector.broadcast %concatenate3A_64 : vector<1x256xf32> to vector<2048x256xf32>
    %add3A_278 = arith.addf %add3A_276, %add3A_277 : vector<2048x256xf32>
    %logistic3A_279 = arith.negf %add3A_278 : vector<2048x256xf32>
    %logistic3A_280 = math.exp %logistic3A_279 : vector<2048x256xf32>
    %logistic3A_281 = arith.constant 1.000000e+00 : f32
    %logistic3A_282 = vector.broadcast %logistic3A_281 : f32 to vector<2048x256xf32>
    %logistic3A_283 = arith.addf %logistic3A_282, %logistic3A_280 : vector<2048x256xf32>
    %logistic3A_284 = arith.divf %logistic3A_282, %logistic3A_283 : vector<2048x256xf32>
    %slice3A_285 = vector.extract_strided_slice %logistic3A_284 {offsets = [0, 0], sizes = [2048, 128], strides = [1, 1]} : vector<2048x256xf32> to vector<2048x128xf32>
    %slice3A_286 = vector.extract_strided_slice %logistic3A_284 {offsets = [0, 128], sizes = [2048, 128], strides = [1, 1]} : vector<2048x256xf32> to vector<2048x128xf32>
    %slice3A_287 = vector.extract_strided_slice %get3A_56 {offsets = [0, 0], sizes = [128, 128], strides = [1, 1]} : vector<256x128xf32> to vector<128x128xf32>
    %dot_general3A_288 = arith.constant dense<0.000000e+00> : vector<2048x128xf32>
    %dot_general3A_289 = tpu.matmul %add3A_266, %slice3A_287, %dot_general3A_288 {dimension_numbers = #tpu.dot_dimension_numbers<[1], [0], [0], [1], [0, 0, 1, 1], [], []>, transpose_lhs_hint = false} : vector<2048x128xf32>, vector<128x128xf32>, vector<2048x128xf32> -> vector<2048x128xf32>
    %mul3A_290 = arith.mulf %add3A_245, %slice3A_286 : vector<2048x128xf32>
    %slice3A_291 = vector.extract_strided_slice %get3A_56 {offsets = [128, 0], sizes = [128, 128], strides = [1, 1]} : vector<256x128xf32> to vector<128x128xf32>
    %dot_general3A_292 = arith.constant dense<0.000000e+00> : vector<2048x128xf32>
    %dot_general3A_293 = tpu.matmul %mul3A_290, %slice3A_291, %dot_general3A_292 {dimension_numbers = #tpu.dot_dimension_numbers<[1], [0], [0], [1], [0, 0, 1, 1], [], []>, transpose_lhs_hint = false} : vector<2048x128xf32>, vector<128x128xf32>, vector<2048x128xf32> -> vector<2048x128xf32>
    %add3A_294 = arith.addf %dot_general3A_289, %dot_general3A_293 : vector<2048x128xf32>
    %get3A_295 = arith.constant 0 : index
    %get3A_296 = arith.constant 0 : index
    %get3A_297 = vector.load %arg12[%get3A_295, %get3A_296] : memref<1x128xf32, #tpu.memory_space<vmem>>, vector<1x128xf32>
    %add3A_298 = vector.broadcast %get3A_297 : vector<1x128xf32> to vector<2048x128xf32>
    %add3A_299 = arith.addf %add3A_294, %add3A_298 : vector<2048x128xf32>
    %tanh3A_300 = math.tanh %add3A_299 : vector<2048x128xf32>
    %mul3A_301 = arith.mulf %slice3A_285, %add3A_245 : vector<2048x128xf32>
    %sub3A_302 = arith.constant 1.000000e+00 : f32
    %sub3A_303 = vector.broadcast %sub3A_302 : f32 to vector<2048x128xf32>
    %sub3A_304 = arith.subf %sub3A_303, %slice3A_285 : vector<2048x128xf32>
    %mul3A_305 = arith.mulf %sub3A_304, %tanh3A_300 : vector<2048x128xf32>
    %add3A_306 = arith.addf %mul3A_301, %mul3A_305 : vector<2048x128xf32>
    %slice3A_307 = vector.extract_strided_slice %div3A_29 {offsets = [0, 3], sizes = [1, 1], strides = [1, 1]} : vector<1x12xf32> to vector<1x1xf32>
    %squeeze3A_308 = vector.extract %slice3A_307[0, 0] : f32 from vector<1x1xf32>
    %mul3A_309 = vector.broadcast %squeeze3A_308 : f32 to vector<2048x128xf32>
    %mul3A_310 = arith.mulf %mul3A_309, %add3A_306 : vector<2048x128xf32>
    %add3A_311 = arith.addf %add3A_250, %mul3A_310 : vector<2048x128xf32>
    %slice3A_312 = vector.extract_strided_slice %dot_general3A_67 {offsets = [0, 4], sizes = [2048, 1], strides = [1, 1]} : vector<2048x12xf32> to vector<2048x1xf32>
    %mul3A_313 = vector.broadcast %slice3A_312 : vector<2048x1xf32> to vector<2048x128xf32>
    %mul3A_314 = vector.broadcast %get3A_32 : vector<1x128xf32> to vector<2048x128xf32>
    %mul3A_315 = arith.mulf %mul3A_313, %mul3A_314 : vector<2048x128xf32>
    %add3A_316 = vector.broadcast %get3A_41 : vector<1x128xf32> to vector<2048x128xf32>
    %add3A_317 = arith.addf %mul3A_315, %add3A_316 : vector<2048x128xf32>
    %mul3A_318 = vector.broadcast %slice3A_312 : vector<2048x1xf32> to vector<2048x128xf32>
    %mul3A_319 = vector.broadcast %get3A_35 : vector<1x128xf32> to vector<2048x128xf32>
    %mul3A_320 = arith.mulf %mul3A_318, %mul3A_319 : vector<2048x128xf32>
    %add3A_321 = vector.broadcast %get3A_44 : vector<1x128xf32> to vector<2048x128xf32>
    %add3A_322 = arith.addf %mul3A_320, %add3A_321 : vector<2048x128xf32>
    %mul3A_323 = vector.broadcast %slice3A_312 : vector<2048x1xf32> to vector<2048x128xf32>
    %mul3A_324 = vector.broadcast %get3A_38 : vector<1x128xf32> to vector<2048x128xf32>
    %mul3A_325 = arith.mulf %mul3A_323, %mul3A_324 : vector<2048x128xf32>
    %add3A_326 = vector.broadcast %get3A_47 : vector<1x128xf32> to vector<2048x128xf32>
    %add3A_327 = arith.addf %mul3A_325, %add3A_326 : vector<2048x128xf32>
    %slice3A_328 = vector.extract_strided_slice %get3A_50 {offsets = [0, 0], sizes = [128, 128], strides = [1, 1]} : vector<256x128xf32> to vector<128x128xf32>
    %dot_general3A_329 = arith.constant dense<0.000000e+00> : vector<2048x128xf32>
    %dot_general3A_330 = tpu.matmul %add3A_317, %slice3A_328, %dot_general3A_329 {dimension_numbers = #tpu.dot_dimension_numbers<[1], [0], [0], [1], [0, 0, 1, 1], [], []>, transpose_lhs_hint = false} : vector<2048x128xf32>, vector<128x128xf32>, vector<2048x128xf32> -> vector<2048x128xf32>
    %slice3A_331 = vector.extract_strided_slice %get3A_53 {offsets = [0, 0], sizes = [128, 128], strides = [1, 1]} : vector<256x128xf32> to vector<128x128xf32>
    %dot_general3A_332 = arith.constant dense<0.000000e+00> : vector<2048x128xf32>
    %dot_general3A_333 = tpu.matmul %add3A_322, %slice3A_331, %dot_general3A_332 {dimension_numbers = #tpu.dot_dimension_numbers<[1], [0], [0], [1], [0, 0, 1, 1], [], []>, transpose_lhs_hint = false} : vector<2048x128xf32>, vector<128x128xf32>, vector<2048x128xf32> -> vector<2048x128xf32>
    %concatenate3A_334 = tpu.concatenate %dot_general3A_330, %dot_general3A_333 in 1 : vector<2048x128xf32>, vector<2048x128xf32> -> vector<2048x256xf32>
    %dot_general3A_335 = arith.constant dense<0.000000e+00> : vector<2048x256xf32>
    %dot_general3A_336 = tpu.matmul %add3A_306, %concatenate3A, %dot_general3A_335 {dimension_numbers = #tpu.dot_dimension_numbers<[1], [0], [0], [1], [0, 0, 1, 1], [], []>, transpose_lhs_hint = false} : vector<2048x128xf32>, vector<128x256xf32>, vector<2048x256xf32> -> vector<2048x256xf32>
    %add3A_337 = arith.addf %concatenate3A_334, %dot_general3A_336 : vector<2048x256xf32>
    %add3A_338 = vector.broadcast %concatenate3A_64 : vector<1x256xf32> to vector<2048x256xf32>
    %add3A_339 = arith.addf %add3A_337, %add3A_338 : vector<2048x256xf32>
    %logistic3A_340 = arith.negf %add3A_339 : vector<2048x256xf32>
    %logistic3A_341 = math.exp %logistic3A_340 : vector<2048x256xf32>
    %logistic3A_342 = arith.constant 1.000000e+00 : f32
    %logistic3A_343 = vector.broadcast %logistic3A_342 : f32 to vector<2048x256xf32>
    %logistic3A_344 = arith.addf %logistic3A_343, %logistic3A_341 : vector<2048x256xf32>
    %logistic3A_345 = arith.divf %logistic3A_343, %logistic3A_344 : vector<2048x256xf32>
    %slice3A_346 = vector.extract_strided_slice %logistic3A_345 {offsets = [0, 0], sizes = [2048, 128], strides = [1, 1]} : vector<2048x256xf32> to vector<2048x128xf32>
    %slice3A_347 = vector.extract_strided_slice %logistic3A_345 {offsets = [0, 128], sizes = [2048, 128], strides = [1, 1]} : vector<2048x256xf32> to vector<2048x128xf32>
    %slice3A_348 = vector.extract_strided_slice %get3A_56 {offsets = [0, 0], sizes = [128, 128], strides = [1, 1]} : vector<256x128xf32> to vector<128x128xf32>
    %dot_general3A_349 = arith.constant dense<0.000000e+00> : vector<2048x128xf32>
    %dot_general3A_350 = tpu.matmul %add3A_327, %slice3A_348, %dot_general3A_349 {dimension_numbers = #tpu.dot_dimension_numbers<[1], [0], [0], [1], [0, 0, 1, 1], [], []>, transpose_lhs_hint = false} : vector<2048x128xf32>, vector<128x128xf32>, vector<2048x128xf32> -> vector<2048x128xf32>
    %mul3A_351 = arith.mulf %add3A_306, %slice3A_347 : vector<2048x128xf32>
    %slice3A_352 = vector.extract_strided_slice %get3A_56 {offsets = [128, 0], sizes = [128, 128], strides = [1, 1]} : vector<256x128xf32> to vector<128x128xf32>
    %dot_general3A_353 = arith.constant dense<0.000000e+00> : vector<2048x128xf32>
    %dot_general3A_354 = tpu.matmul %mul3A_351, %slice3A_352, %dot_general3A_353 {dimension_numbers = #tpu.dot_dimension_numbers<[1], [0], [0], [1], [0, 0, 1, 1], [], []>, transpose_lhs_hint = false} : vector<2048x128xf32>, vector<128x128xf32>, vector<2048x128xf32> -> vector<2048x128xf32>
    %add3A_355 = arith.addf %dot_general3A_350, %dot_general3A_354 : vector<2048x128xf32>
    %get3A_356 = arith.constant 0 : index
    %get3A_357 = arith.constant 0 : index
    %get3A_358 = vector.load %arg12[%get3A_356, %get3A_357] : memref<1x128xf32, #tpu.memory_space<vmem>>, vector<1x128xf32>
    %add3A_359 = vector.broadcast %get3A_358 : vector<1x128xf32> to vector<2048x128xf32>
    %add3A_360 = arith.addf %add3A_355, %add3A_359 : vector<2048x128xf32>
    %tanh3A_361 = math.tanh %add3A_360 : vector<2048x128xf32>
    %mul3A_362 = arith.mulf %slice3A_346, %add3A_306 : vector<2048x128xf32>
    %sub3A_363 = arith.constant 1.000000e+00 : f32
    %sub3A_364 = vector.broadcast %sub3A_363 : f32 to vector<2048x128xf32>
    %sub3A_365 = arith.subf %sub3A_364, %slice3A_346 : vector<2048x128xf32>
    %mul3A_366 = arith.mulf %sub3A_365, %tanh3A_361 : vector<2048x128xf32>
    %add3A_367 = arith.addf %mul3A_362, %mul3A_366 : vector<2048x128xf32>
    %slice3A_368 = vector.extract_strided_slice %div3A_29 {offsets = [0, 4], sizes = [1, 1], strides = [1, 1]} : vector<1x12xf32> to vector<1x1xf32>
    %squeeze3A_369 = vector.extract %slice3A_368[0, 0] : f32 from vector<1x1xf32>
    %mul3A_370 = vector.broadcast %squeeze3A_369 : f32 to vector<2048x128xf32>
    %mul3A_371 = arith.mulf %mul3A_370, %add3A_367 : vector<2048x128xf32>
    %add3A_372 = arith.addf %add3A_311, %mul3A_371 : vector<2048x128xf32>
    %slice3A_373 = vector.extract_strided_slice %dot_general3A_67 {offsets = [0, 5], sizes = [2048, 1], strides = [1, 1]} : vector<2048x12xf32> to vector<2048x1xf32>
    %mul3A_374 = vector.broadcast %slice3A_373 : vector<2048x1xf32> to vector<2048x128xf32>
    %mul3A_375 = vector.broadcast %get3A_32 : vector<1x128xf32> to vector<2048x128xf32>
    %mul3A_376 = arith.mulf %mul3A_374, %mul3A_375 : vector<2048x128xf32>
    %add3A_377 = vector.broadcast %get3A_41 : vector<1x128xf32> to vector<2048x128xf32>
    %add3A_378 = arith.addf %mul3A_376, %add3A_377 : vector<2048x128xf32>
    %mul3A_379 = vector.broadcast %slice3A_373 : vector<2048x1xf32> to vector<2048x128xf32>
    %mul3A_380 = vector.broadcast %get3A_35 : vector<1x128xf32> to vector<2048x128xf32>
    %mul3A_381 = arith.mulf %mul3A_379, %mul3A_380 : vector<2048x128xf32>
    %add3A_382 = vector.broadcast %get3A_44 : vector<1x128xf32> to vector<2048x128xf32>
    %add3A_383 = arith.addf %mul3A_381, %add3A_382 : vector<2048x128xf32>
    %mul3A_384 = vector.broadcast %slice3A_373 : vector<2048x1xf32> to vector<2048x128xf32>
    %mul3A_385 = vector.broadcast %get3A_38 : vector<1x128xf32> to vector<2048x128xf32>
    %mul3A_386 = arith.mulf %mul3A_384, %mul3A_385 : vector<2048x128xf32>
    %add3A_387 = vector.broadcast %get3A_47 : vector<1x128xf32> to vector<2048x128xf32>
    %add3A_388 = arith.addf %mul3A_386, %add3A_387 : vector<2048x128xf32>
    %slice3A_389 = vector.extract_strided_slice %get3A_50 {offsets = [0, 0], sizes = [128, 128], strides = [1, 1]} : vector<256x128xf32> to vector<128x128xf32>
    %dot_general3A_390 = arith.constant dense<0.000000e+00> : vector<2048x128xf32>
    %dot_general3A_391 = tpu.matmul %add3A_378, %slice3A_389, %dot_general3A_390 {dimension_numbers = #tpu.dot_dimension_numbers<[1], [0], [0], [1], [0, 0, 1, 1], [], []>, transpose_lhs_hint = false} : vector<2048x128xf32>, vector<128x128xf32>, vector<2048x128xf32> -> vector<2048x128xf32>
    %slice3A_392 = vector.extract_strided_slice %get3A_53 {offsets = [0, 0], sizes = [128, 128], strides = [1, 1]} : vector<256x128xf32> to vector<128x128xf32>
    %dot_general3A_393 = arith.constant dense<0.000000e+00> : vector<2048x128xf32>
    %dot_general3A_394 = tpu.matmul %add3A_383, %slice3A_392, %dot_general3A_393 {dimension_numbers = #tpu.dot_dimension_numbers<[1], [0], [0], [1], [0, 0, 1, 1], [], []>, transpose_lhs_hint = false} : vector<2048x128xf32>, vector<128x128xf32>, vector<2048x128xf32> -> vector<2048x128xf32>
    %concatenate3A_395 = tpu.concatenate %dot_general3A_391, %dot_general3A_394 in 1 : vector<2048x128xf32>, vector<2048x128xf32> -> vector<2048x256xf32>
    %dot_general3A_396 = arith.constant dense<0.000000e+00> : vector<2048x256xf32>
    %dot_general3A_397 = tpu.matmul %add3A_367, %concatenate3A, %dot_general3A_396 {dimension_numbers = #tpu.dot_dimension_numbers<[1], [0], [0], [1], [0, 0, 1, 1], [], []>, transpose_lhs_hint = false} : vector<2048x128xf32>, vector<128x256xf32>, vector<2048x256xf32> -> vector<2048x256xf32>
    %add3A_398 = arith.addf %concatenate3A_395, %dot_general3A_397 : vector<2048x256xf32>
    %add3A_399 = vector.broadcast %concatenate3A_64 : vector<1x256xf32> to vector<2048x256xf32>
    %add3A_400 = arith.addf %add3A_398, %add3A_399 : vector<2048x256xf32>
    %logistic3A_401 = arith.negf %add3A_400 : vector<2048x256xf32>
    %logistic3A_402 = math.exp %logistic3A_401 : vector<2048x256xf32>
    %logistic3A_403 = arith.constant 1.000000e+00 : f32
    %logistic3A_404 = vector.broadcast %logistic3A_403 : f32 to vector<2048x256xf32>
    %logistic3A_405 = arith.addf %logistic3A_404, %logistic3A_402 : vector<2048x256xf32>
    %logistic3A_406 = arith.divf %logistic3A_404, %logistic3A_405 : vector<2048x256xf32>
    %slice3A_407 = vector.extract_strided_slice %logistic3A_406 {offsets = [0, 0], sizes = [2048, 128], strides = [1, 1]} : vector<2048x256xf32> to vector<2048x128xf32>
    %slice3A_408 = vector.extract_strided_slice %logistic3A_406 {offsets = [0, 128], sizes = [2048, 128], strides = [1, 1]} : vector<2048x256xf32> to vector<2048x128xf32>
    %slice3A_409 = vector.extract_strided_slice %get3A_56 {offsets = [0, 0], sizes = [128, 128], strides = [1, 1]} : vector<256x128xf32> to vector<128x128xf32>
    %dot_general3A_410 = arith.constant dense<0.000000e+00> : vector<2048x128xf32>
    %dot_general3A_411 = tpu.matmul %add3A_388, %slice3A_409, %dot_general3A_410 {dimension_numbers = #tpu.dot_dimension_numbers<[1], [0], [0], [1], [0, 0, 1, 1], [], []>, transpose_lhs_hint = false} : vector<2048x128xf32>, vector<128x128xf32>, vector<2048x128xf32> -> vector<2048x128xf32>
    %mul3A_412 = arith.mulf %add3A_367, %slice3A_408 : vector<2048x128xf32>
    %slice3A_413 = vector.extract_strided_slice %get3A_56 {offsets = [128, 0], sizes = [128, 128], strides = [1, 1]} : vector<256x128xf32> to vector<128x128xf32>
    %dot_general3A_414 = arith.constant dense<0.000000e+00> : vector<2048x128xf32>
    %dot_general3A_415 = tpu.matmul %mul3A_412, %slice3A_413, %dot_general3A_414 {dimension_numbers = #tpu.dot_dimension_numbers<[1], [0], [0], [1], [0, 0, 1, 1], [], []>, transpose_lhs_hint = false} : vector<2048x128xf32>, vector<128x128xf32>, vector<2048x128xf32> -> vector<2048x128xf32>
    %add3A_416 = arith.addf %dot_general3A_411, %dot_general3A_415 : vector<2048x128xf32>
    %get3A_417 = arith.constant 0 : index
    %get3A_418 = arith.constant 0 : index
    %get3A_419 = vector.load %arg12[%get3A_417, %get3A_418] : memref<1x128xf32, #tpu.memory_space<vmem>>, vector<1x128xf32>
    %add3A_420 = vector.broadcast %get3A_419 : vector<1x128xf32> to vector<2048x128xf32>
    %add3A_421 = arith.addf %add3A_416, %add3A_420 : vector<2048x128xf32>
    %tanh3A_422 = math.tanh %add3A_421 : vector<2048x128xf32>
    %mul3A_423 = arith.mulf %slice3A_407, %add3A_367 : vector<2048x128xf32>
    %sub3A_424 = arith.constant 1.000000e+00 : f32
    %sub3A_425 = vector.broadcast %sub3A_424 : f32 to vector<2048x128xf32>
    %sub3A_426 = arith.subf %sub3A_425, %slice3A_407 : vector<2048x128xf32>
    %mul3A_427 = arith.mulf %sub3A_426, %tanh3A_422 : vector<2048x128xf32>
    %add3A_428 = arith.addf %mul3A_423, %mul3A_427 : vector<2048x128xf32>
    %slice3A_429 = vector.extract_strided_slice %div3A_29 {offsets = [0, 5], sizes = [1, 1], strides = [1, 1]} : vector<1x12xf32> to vector<1x1xf32>
    %squeeze3A_430 = vector.extract %slice3A_429[0, 0] : f32 from vector<1x1xf32>
    %mul3A_431 = vector.broadcast %squeeze3A_430 : f32 to vector<2048x128xf32>
    %mul3A_432 = arith.mulf %mul3A_431, %add3A_428 : vector<2048x128xf32>
    %add3A_433 = arith.addf %add3A_372, %mul3A_432 : vector<2048x128xf32>
    %slice3A_434 = vector.extract_strided_slice %dot_general3A_67 {offsets = [0, 6], sizes = [2048, 1], strides = [1, 1]} : vector<2048x12xf32> to vector<2048x1xf32>
    %mul3A_435 = vector.broadcast %slice3A_434 : vector<2048x1xf32> to vector<2048x128xf32>
    %mul3A_436 = vector.broadcast %get3A_32 : vector<1x128xf32> to vector<2048x128xf32>
    %mul3A_437 = arith.mulf %mul3A_435, %mul3A_436 : vector<2048x128xf32>
    %add3A_438 = vector.broadcast %get3A_41 : vector<1x128xf32> to vector<2048x128xf32>
    %add3A_439 = arith.addf %mul3A_437, %add3A_438 : vector<2048x128xf32>
    %mul3A_440 = vector.broadcast %slice3A_434 : vector<2048x1xf32> to vector<2048x128xf32>
    %mul3A_441 = vector.broadcast %get3A_35 : vector<1x128xf32> to vector<2048x128xf32>
    %mul3A_442 = arith.mulf %mul3A_440, %mul3A_441 : vector<2048x128xf32>
    %add3A_443 = vector.broadcast %get3A_44 : vector<1x128xf32> to vector<2048x128xf32>
    %add3A_444 = arith.addf %mul3A_442, %add3A_443 : vector<2048x128xf32>
    %mul3A_445 = vector.broadcast %slice3A_434 : vector<2048x1xf32> to vector<2048x128xf32>
    %mul3A_446 = vector.broadcast %get3A_38 : vector<1x128xf32> to vector<2048x128xf32>
    %mul3A_447 = arith.mulf %mul3A_445, %mul3A_446 : vector<2048x128xf32>
    %add3A_448 = vector.broadcast %get3A_47 : vector<1x128xf32> to vector<2048x128xf32>
    %add3A_449 = arith.addf %mul3A_447, %add3A_448 : vector<2048x128xf32>
    %slice3A_450 = vector.extract_strided_slice %get3A_50 {offsets = [0, 0], sizes = [128, 128], strides = [1, 1]} : vector<256x128xf32> to vector<128x128xf32>
    %dot_general3A_451 = arith.constant dense<0.000000e+00> : vector<2048x128xf32>
    %dot_general3A_452 = tpu.matmul %add3A_439, %slice3A_450, %dot_general3A_451 {dimension_numbers = #tpu.dot_dimension_numbers<[1], [0], [0], [1], [0, 0, 1, 1], [], []>, transpose_lhs_hint = false} : vector<2048x128xf32>, vector<128x128xf32>, vector<2048x128xf32> -> vector<2048x128xf32>
    %slice3A_453 = vector.extract_strided_slice %get3A_53 {offsets = [0, 0], sizes = [128, 128], strides = [1, 1]} : vector<256x128xf32> to vector<128x128xf32>
    %dot_general3A_454 = arith.constant dense<0.000000e+00> : vector<2048x128xf32>
    %dot_general3A_455 = tpu.matmul %add3A_444, %slice3A_453, %dot_general3A_454 {dimension_numbers = #tpu.dot_dimension_numbers<[1], [0], [0], [1], [0, 0, 1, 1], [], []>, transpose_lhs_hint = false} : vector<2048x128xf32>, vector<128x128xf32>, vector<2048x128xf32> -> vector<2048x128xf32>
    %concatenate3A_456 = tpu.concatenate %dot_general3A_452, %dot_general3A_455 in 1 : vector<2048x128xf32>, vector<2048x128xf32> -> vector<2048x256xf32>
    %dot_general3A_457 = arith.constant dense<0.000000e+00> : vector<2048x256xf32>
    %dot_general3A_458 = tpu.matmul %add3A_428, %concatenate3A, %dot_general3A_457 {dimension_numbers = #tpu.dot_dimension_numbers<[1], [0], [0], [1], [0, 0, 1, 1], [], []>, transpose_lhs_hint = false} : vector<2048x128xf32>, vector<128x256xf32>, vector<2048x256xf32> -> vector<2048x256xf32>
    %add3A_459 = arith.addf %concatenate3A_456, %dot_general3A_458 : vector<2048x256xf32>
    %add3A_460 = vector.broadcast %concatenate3A_64 : vector<1x256xf32> to vector<2048x256xf32>
    %add3A_461 = arith.addf %add3A_459, %add3A_460 : vector<2048x256xf32>
    %logistic3A_462 = arith.negf %add3A_461 : vector<2048x256xf32>
    %logistic3A_463 = math.exp %logistic3A_462 : vector<2048x256xf32>
    %logistic3A_464 = arith.constant 1.000000e+00 : f32
    %logistic3A_465 = vector.broadcast %logistic3A_464 : f32 to vector<2048x256xf32>
    %logistic3A_466 = arith.addf %logistic3A_465, %logistic3A_463 : vector<2048x256xf32>
    %logistic3A_467 = arith.divf %logistic3A_465, %logistic3A_466 : vector<2048x256xf32>
    %slice3A_468 = vector.extract_strided_slice %logistic3A_467 {offsets = [0, 0], sizes = [2048, 128], strides = [1, 1]} : vector<2048x256xf32> to vector<2048x128xf32>
    %slice3A_469 = vector.extract_strided_slice %logistic3A_467 {offsets = [0, 128], sizes = [2048, 128], strides = [1, 1]} : vector<2048x256xf32> to vector<2048x128xf32>
    %slice3A_470 = vector.extract_strided_slice %get3A_56 {offsets = [0, 0], sizes = [128, 128], strides = [1, 1]} : vector<256x128xf32> to vector<128x128xf32>
    %dot_general3A_471 = arith.constant dense<0.000000e+00> : vector<2048x128xf32>
    %dot_general3A_472 = tpu.matmul %add3A_449, %slice3A_470, %dot_general3A_471 {dimension_numbers = #tpu.dot_dimension_numbers<[1], [0], [0], [1], [0, 0, 1, 1], [], []>, transpose_lhs_hint = false} : vector<2048x128xf32>, vector<128x128xf32>, vector<2048x128xf32> -> vector<2048x128xf32>
    %mul3A_473 = arith.mulf %add3A_428, %slice3A_469 : vector<2048x128xf32>
    %slice3A_474 = vector.extract_strided_slice %get3A_56 {offsets = [128, 0], sizes = [128, 128], strides = [1, 1]} : vector<256x128xf32> to vector<128x128xf32>
    %dot_general3A_475 = arith.constant dense<0.000000e+00> : vector<2048x128xf32>
    %dot_general3A_476 = tpu.matmul %mul3A_473, %slice3A_474, %dot_general3A_475 {dimension_numbers = #tpu.dot_dimension_numbers<[1], [0], [0], [1], [0, 0, 1, 1], [], []>, transpose_lhs_hint = false} : vector<2048x128xf32>, vector<128x128xf32>, vector<2048x128xf32> -> vector<2048x128xf32>
    %add3A_477 = arith.addf %dot_general3A_472, %dot_general3A_476 : vector<2048x128xf32>
    %get3A_478 = arith.constant 0 : index
    %get3A_479 = arith.constant 0 : index
    %get3A_480 = vector.load %arg12[%get3A_478, %get3A_479] : memref<1x128xf32, #tpu.memory_space<vmem>>, vector<1x128xf32>
    %add3A_481 = vector.broadcast %get3A_480 : vector<1x128xf32> to vector<2048x128xf32>
    %add3A_482 = arith.addf %add3A_477, %add3A_481 : vector<2048x128xf32>
    %tanh3A_483 = math.tanh %add3A_482 : vector<2048x128xf32>
    %mul3A_484 = arith.mulf %slice3A_468, %add3A_428 : vector<2048x128xf32>
    %sub3A_485 = arith.constant 1.000000e+00 : f32
    %sub3A_486 = vector.broadcast %sub3A_485 : f32 to vector<2048x128xf32>
    %sub3A_487 = arith.subf %sub3A_486, %slice3A_468 : vector<2048x128xf32>
    %mul3A_488 = arith.mulf %sub3A_487, %tanh3A_483 : vector<2048x128xf32>
    %add3A_489 = arith.addf %mul3A_484, %mul3A_488 : vector<2048x128xf32>
    %slice3A_490 = vector.extract_strided_slice %div3A_29 {offsets = [0, 6], sizes = [1, 1], strides = [1, 1]} : vector<1x12xf32> to vector<1x1xf32>
    %squeeze3A_491 = vector.extract %slice3A_490[0, 0] : f32 from vector<1x1xf32>
    %mul3A_492 = vector.broadcast %squeeze3A_491 : f32 to vector<2048x128xf32>
    %mul3A_493 = arith.mulf %mul3A_492, %add3A_489 : vector<2048x128xf32>
    %add3A_494 = arith.addf %add3A_433, %mul3A_493 : vector<2048x128xf32>
    %slice3A_495 = vector.extract_strided_slice %dot_general3A_67 {offsets = [0, 7], sizes = [2048, 1], strides = [1, 1]} : vector<2048x12xf32> to vector<2048x1xf32>
    %mul3A_496 = vector.broadcast %slice3A_495 : vector<2048x1xf32> to vector<2048x128xf32>
    %mul3A_497 = vector.broadcast %get3A_32 : vector<1x128xf32> to vector<2048x128xf32>
    %mul3A_498 = arith.mulf %mul3A_496, %mul3A_497 : vector<2048x128xf32>
    %add3A_499 = vector.broadcast %get3A_41 : vector<1x128xf32> to vector<2048x128xf32>
    %add3A_500 = arith.addf %mul3A_498, %add3A_499 : vector<2048x128xf32>
    %mul3A_501 = vector.broadcast %slice3A_495 : vector<2048x1xf32> to vector<2048x128xf32>
    %mul3A_502 = vector.broadcast %get3A_35 : vector<1x128xf32> to vector<2048x128xf32>
    %mul3A_503 = arith.mulf %mul3A_501, %mul3A_502 : vector<2048x128xf32>
    %add3A_504 = vector.broadcast %get3A_44 : vector<1x128xf32> to vector<2048x128xf32>
    %add3A_505 = arith.addf %mul3A_503, %add3A_504 : vector<2048x128xf32>
    %mul3A_506 = vector.broadcast %slice3A_495 : vector<2048x1xf32> to vector<2048x128xf32>
    %mul3A_507 = vector.broadcast %get3A_38 : vector<1x128xf32> to vector<2048x128xf32>
    %mul3A_508 = arith.mulf %mul3A_506, %mul3A_507 : vector<2048x128xf32>
    %add3A_509 = vector.broadcast %get3A_47 : vector<1x128xf32> to vector<2048x128xf32>
    %add3A_510 = arith.addf %mul3A_508, %add3A_509 : vector<2048x128xf32>
    %slice3A_511 = vector.extract_strided_slice %get3A_50 {offsets = [0, 0], sizes = [128, 128], strides = [1, 1]} : vector<256x128xf32> to vector<128x128xf32>
    %dot_general3A_512 = arith.constant dense<0.000000e+00> : vector<2048x128xf32>
    %dot_general3A_513 = tpu.matmul %add3A_500, %slice3A_511, %dot_general3A_512 {dimension_numbers = #tpu.dot_dimension_numbers<[1], [0], [0], [1], [0, 0, 1, 1], [], []>, transpose_lhs_hint = false} : vector<2048x128xf32>, vector<128x128xf32>, vector<2048x128xf32> -> vector<2048x128xf32>
    %slice3A_514 = vector.extract_strided_slice %get3A_53 {offsets = [0, 0], sizes = [128, 128], strides = [1, 1]} : vector<256x128xf32> to vector<128x128xf32>
    %dot_general3A_515 = arith.constant dense<0.000000e+00> : vector<2048x128xf32>
    %dot_general3A_516 = tpu.matmul %add3A_505, %slice3A_514, %dot_general3A_515 {dimension_numbers = #tpu.dot_dimension_numbers<[1], [0], [0], [1], [0, 0, 1, 1], [], []>, transpose_lhs_hint = false} : vector<2048x128xf32>, vector<128x128xf32>, vector<2048x128xf32> -> vector<2048x128xf32>
    %concatenate3A_517 = tpu.concatenate %dot_general3A_513, %dot_general3A_516 in 1 : vector<2048x128xf32>, vector<2048x128xf32> -> vector<2048x256xf32>
    %dot_general3A_518 = arith.constant dense<0.000000e+00> : vector<2048x256xf32>
    %dot_general3A_519 = tpu.matmul %add3A_489, %concatenate3A, %dot_general3A_518 {dimension_numbers = #tpu.dot_dimension_numbers<[1], [0], [0], [1], [0, 0, 1, 1], [], []>, transpose_lhs_hint = false} : vector<2048x128xf32>, vector<128x256xf32>, vector<2048x256xf32> -> vector<2048x256xf32>
    %add3A_520 = arith.addf %concatenate3A_517, %dot_general3A_519 : vector<2048x256xf32>
    %add3A_521 = vector.broadcast %concatenate3A_64 : vector<1x256xf32> to vector<2048x256xf32>
    %add3A_522 = arith.addf %add3A_520, %add3A_521 : vector<2048x256xf32>
    %logistic3A_523 = arith.negf %add3A_522 : vector<2048x256xf32>
    %logistic3A_524 = math.exp %logistic3A_523 : vector<2048x256xf32>
    %logistic3A_525 = arith.constant 1.000000e+00 : f32
    %logistic3A_526 = vector.broadcast %logistic3A_525 : f32 to vector<2048x256xf32>
    %logistic3A_527 = arith.addf %logistic3A_526, %logistic3A_524 : vector<2048x256xf32>
    %logistic3A_528 = arith.divf %logistic3A_526, %logistic3A_527 : vector<2048x256xf32>
    %slice3A_529 = vector.extract_strided_slice %logistic3A_528 {offsets = [0, 0], sizes = [2048, 128], strides = [1, 1]} : vector<2048x256xf32> to vector<2048x128xf32>
    %slice3A_530 = vector.extract_strided_slice %logistic3A_528 {offsets = [0, 128], sizes = [2048, 128], strides = [1, 1]} : vector<2048x256xf32> to vector<2048x128xf32>
    %slice3A_531 = vector.extract_strided_slice %get3A_56 {offsets = [0, 0], sizes = [128, 128], strides = [1, 1]} : vector<256x128xf32> to vector<128x128xf32>
    %dot_general3A_532 = arith.constant dense<0.000000e+00> : vector<2048x128xf32>
    %dot_general3A_533 = tpu.matmul %add3A_510, %slice3A_531, %dot_general3A_532 {dimension_numbers = #tpu.dot_dimension_numbers<[1], [0], [0], [1], [0, 0, 1, 1], [], []>, transpose_lhs_hint = false} : vector<2048x128xf32>, vector<128x128xf32>, vector<2048x128xf32> -> vector<2048x128xf32>
    %mul3A_534 = arith.mulf %add3A_489, %slice3A_530 : vector<2048x128xf32>
    %slice3A_535 = vector.extract_strided_slice %get3A_56 {offsets = [128, 0], sizes = [128, 128], strides = [1, 1]} : vector<256x128xf32> to vector<128x128xf32>
    %dot_general3A_536 = arith.constant dense<0.000000e+00> : vector<2048x128xf32>
    %dot_general3A_537 = tpu.matmul %mul3A_534, %slice3A_535, %dot_general3A_536 {dimension_numbers = #tpu.dot_dimension_numbers<[1], [0], [0], [1], [0, 0, 1, 1], [], []>, transpose_lhs_hint = false} : vector<2048x128xf32>, vector<128x128xf32>, vector<2048x128xf32> -> vector<2048x128xf32>
    %add3A_538 = arith.addf %dot_general3A_533, %dot_general3A_537 : vector<2048x128xf32>
    %get3A_539 = arith.constant 0 : index
    %get3A_540 = arith.constant 0 : index
    %get3A_541 = vector.load %arg12[%get3A_539, %get3A_540] : memref<1x128xf32, #tpu.memory_space<vmem>>, vector<1x128xf32>
    %add3A_542 = vector.broadcast %get3A_541 : vector<1x128xf32> to vector<2048x128xf32>
    %add3A_543 = arith.addf %add3A_538, %add3A_542 : vector<2048x128xf32>
    %tanh3A_544 = math.tanh %add3A_543 : vector<2048x128xf32>
    %mul3A_545 = arith.mulf %slice3A_529, %add3A_489 : vector<2048x128xf32>
    %sub3A_546 = arith.constant 1.000000e+00 : f32
    %sub3A_547 = vector.broadcast %sub3A_546 : f32 to vector<2048x128xf32>
    %sub3A_548 = arith.subf %sub3A_547, %slice3A_529 : vector<2048x128xf32>
    %mul3A_549 = arith.mulf %sub3A_548, %tanh3A_544 : vector<2048x128xf32>
    %add3A_550 = arith.addf %mul3A_545, %mul3A_549 : vector<2048x128xf32>
    %slice3A_551 = vector.extract_strided_slice %div3A_29 {offsets = [0, 7], sizes = [1, 1], strides = [1, 1]} : vector<1x12xf32> to vector<1x1xf32>
    %squeeze3A_552 = vector.extract %slice3A_551[0, 0] : f32 from vector<1x1xf32>
    %mul3A_553 = vector.broadcast %squeeze3A_552 : f32 to vector<2048x128xf32>
    %mul3A_554 = arith.mulf %mul3A_553, %add3A_550 : vector<2048x128xf32>
    %add3A_555 = arith.addf %add3A_494, %mul3A_554 : vector<2048x128xf32>
    %slice3A_556 = vector.extract_strided_slice %dot_general3A_67 {offsets = [0, 8], sizes = [2048, 1], strides = [1, 1]} : vector<2048x12xf32> to vector<2048x1xf32>
    %mul3A_557 = vector.broadcast %slice3A_556 : vector<2048x1xf32> to vector<2048x128xf32>
    %mul3A_558 = vector.broadcast %get3A_32 : vector<1x128xf32> to vector<2048x128xf32>
    %mul3A_559 = arith.mulf %mul3A_557, %mul3A_558 : vector<2048x128xf32>
    %add3A_560 = vector.broadcast %get3A_41 : vector<1x128xf32> to vector<2048x128xf32>
    %add3A_561 = arith.addf %mul3A_559, %add3A_560 : vector<2048x128xf32>
    %mul3A_562 = vector.broadcast %slice3A_556 : vector<2048x1xf32> to vector<2048x128xf32>
    %mul3A_563 = vector.broadcast %get3A_35 : vector<1x128xf32> to vector<2048x128xf32>
    %mul3A_564 = arith.mulf %mul3A_562, %mul3A_563 : vector<2048x128xf32>
    %add3A_565 = vector.broadcast %get3A_44 : vector<1x128xf32> to vector<2048x128xf32>
    %add3A_566 = arith.addf %mul3A_564, %add3A_565 : vector<2048x128xf32>
    %mul3A_567 = vector.broadcast %slice3A_556 : vector<2048x1xf32> to vector<2048x128xf32>
    %mul3A_568 = vector.broadcast %get3A_38 : vector<1x128xf32> to vector<2048x128xf32>
    %mul3A_569 = arith.mulf %mul3A_567, %mul3A_568 : vector<2048x128xf32>
    %add3A_570 = vector.broadcast %get3A_47 : vector<1x128xf32> to vector<2048x128xf32>
    %add3A_571 = arith.addf %mul3A_569, %add3A_570 : vector<2048x128xf32>
    %slice3A_572 = vector.extract_strided_slice %get3A_50 {offsets = [0, 0], sizes = [128, 128], strides = [1, 1]} : vector<256x128xf32> to vector<128x128xf32>
    %dot_general3A_573 = arith.constant dense<0.000000e+00> : vector<2048x128xf32>
    %dot_general3A_574 = tpu.matmul %add3A_561, %slice3A_572, %dot_general3A_573 {dimension_numbers = #tpu.dot_dimension_numbers<[1], [0], [0], [1], [0, 0, 1, 1], [], []>, transpose_lhs_hint = false} : vector<2048x128xf32>, vector<128x128xf32>, vector<2048x128xf32> -> vector<2048x128xf32>
    %slice3A_575 = vector.extract_strided_slice %get3A_53 {offsets = [0, 0], sizes = [128, 128], strides = [1, 1]} : vector<256x128xf32> to vector<128x128xf32>
    %dot_general3A_576 = arith.constant dense<0.000000e+00> : vector<2048x128xf32>
    %dot_general3A_577 = tpu.matmul %add3A_566, %slice3A_575, %dot_general3A_576 {dimension_numbers = #tpu.dot_dimension_numbers<[1], [0], [0], [1], [0, 0, 1, 1], [], []>, transpose_lhs_hint = false} : vector<2048x128xf32>, vector<128x128xf32>, vector<2048x128xf32> -> vector<2048x128xf32>
    %concatenate3A_578 = tpu.concatenate %dot_general3A_574, %dot_general3A_577 in 1 : vector<2048x128xf32>, vector<2048x128xf32> -> vector<2048x256xf32>
    %dot_general3A_579 = arith.constant dense<0.000000e+00> : vector<2048x256xf32>
    %dot_general3A_580 = tpu.matmul %add3A_550, %concatenate3A, %dot_general3A_579 {dimension_numbers = #tpu.dot_dimension_numbers<[1], [0], [0], [1], [0, 0, 1, 1], [], []>, transpose_lhs_hint = false} : vector<2048x128xf32>, vector<128x256xf32>, vector<2048x256xf32> -> vector<2048x256xf32>
    %add3A_581 = arith.addf %concatenate3A_578, %dot_general3A_580 : vector<2048x256xf32>
    %add3A_582 = vector.broadcast %concatenate3A_64 : vector<1x256xf32> to vector<2048x256xf32>
    %add3A_583 = arith.addf %add3A_581, %add3A_582 : vector<2048x256xf32>
    %logistic3A_584 = arith.negf %add3A_583 : vector<2048x256xf32>
    %logistic3A_585 = math.exp %logistic3A_584 : vector<2048x256xf32>
    %logistic3A_586 = arith.constant 1.000000e+00 : f32
    %logistic3A_587 = vector.broadcast %logistic3A_586 : f32 to vector<2048x256xf32>
    %logistic3A_588 = arith.addf %logistic3A_587, %logistic3A_585 : vector<2048x256xf32>
    %logistic3A_589 = arith.divf %logistic3A_587, %logistic3A_588 : vector<2048x256xf32>
    %slice3A_590 = vector.extract_strided_slice %logistic3A_589 {offsets = [0, 0], sizes = [2048, 128], strides = [1, 1]} : vector<2048x256xf32> to vector<2048x128xf32>
    %slice3A_591 = vector.extract_strided_slice %logistic3A_589 {offsets = [0, 128], sizes = [2048, 128], strides = [1, 1]} : vector<2048x256xf32> to vector<2048x128xf32>
    %slice3A_592 = vector.extract_strided_slice %get3A_56 {offsets = [0, 0], sizes = [128, 128], strides = [1, 1]} : vector<256x128xf32> to vector<128x128xf32>
    %dot_general3A_593 = arith.constant dense<0.000000e+00> : vector<2048x128xf32>
    %dot_general3A_594 = tpu.matmul %add3A_571, %slice3A_592, %dot_general3A_593 {dimension_numbers = #tpu.dot_dimension_numbers<[1], [0], [0], [1], [0, 0, 1, 1], [], []>, transpose_lhs_hint = false} : vector<2048x128xf32>, vector<128x128xf32>, vector<2048x128xf32> -> vector<2048x128xf32>
    %mul3A_595 = arith.mulf %add3A_550, %slice3A_591 : vector<2048x128xf32>
    %slice3A_596 = vector.extract_strided_slice %get3A_56 {offsets = [128, 0], sizes = [128, 128], strides = [1, 1]} : vector<256x128xf32> to vector<128x128xf32>
    %dot_general3A_597 = arith.constant dense<0.000000e+00> : vector<2048x128xf32>
    %dot_general3A_598 = tpu.matmul %mul3A_595, %slice3A_596, %dot_general3A_597 {dimension_numbers = #tpu.dot_dimension_numbers<[1], [0], [0], [1], [0, 0, 1, 1], [], []>, transpose_lhs_hint = false} : vector<2048x128xf32>, vector<128x128xf32>, vector<2048x128xf32> -> vector<2048x128xf32>
    %add3A_599 = arith.addf %dot_general3A_594, %dot_general3A_598 : vector<2048x128xf32>
    %get3A_600 = arith.constant 0 : index
    %get3A_601 = arith.constant 0 : index
    %get3A_602 = vector.load %arg12[%get3A_600, %get3A_601] : memref<1x128xf32, #tpu.memory_space<vmem>>, vector<1x128xf32>
    %add3A_603 = vector.broadcast %get3A_602 : vector<1x128xf32> to vector<2048x128xf32>
    %add3A_604 = arith.addf %add3A_599, %add3A_603 : vector<2048x128xf32>
    %tanh3A_605 = math.tanh %add3A_604 : vector<2048x128xf32>
    %mul3A_606 = arith.mulf %slice3A_590, %add3A_550 : vector<2048x128xf32>
    %sub3A_607 = arith.constant 1.000000e+00 : f32
    %sub3A_608 = vector.broadcast %sub3A_607 : f32 to vector<2048x128xf32>
    %sub3A_609 = arith.subf %sub3A_608, %slice3A_590 : vector<2048x128xf32>
    %mul3A_610 = arith.mulf %sub3A_609, %tanh3A_605 : vector<2048x128xf32>
    %add3A_611 = arith.addf %mul3A_606, %mul3A_610 : vector<2048x128xf32>
    %slice3A_612 = vector.extract_strided_slice %div3A_29 {offsets = [0, 8], sizes = [1, 1], strides = [1, 1]} : vector<1x12xf32> to vector<1x1xf32>
    %squeeze3A_613 = vector.extract %slice3A_612[0, 0] : f32 from vector<1x1xf32>
    %mul3A_614 = vector.broadcast %squeeze3A_613 : f32 to vector<2048x128xf32>
    %mul3A_615 = arith.mulf %mul3A_614, %add3A_611 : vector<2048x128xf32>
    %add3A_616 = arith.addf %add3A_555, %mul3A_615 : vector<2048x128xf32>
    %slice3A_617 = vector.extract_strided_slice %dot_general3A_67 {offsets = [0, 9], sizes = [2048, 1], strides = [1, 1]} : vector<2048x12xf32> to vector<2048x1xf32>
    %mul3A_618 = vector.broadcast %slice3A_617 : vector<2048x1xf32> to vector<2048x128xf32>
    %mul3A_619 = vector.broadcast %get3A_32 : vector<1x128xf32> to vector<2048x128xf32>
    %mul3A_620 = arith.mulf %mul3A_618, %mul3A_619 : vector<2048x128xf32>
    %add3A_621 = vector.broadcast %get3A_41 : vector<1x128xf32> to vector<2048x128xf32>
    %add3A_622 = arith.addf %mul3A_620, %add3A_621 : vector<2048x128xf32>
    %mul3A_623 = vector.broadcast %slice3A_617 : vector<2048x1xf32> to vector<2048x128xf32>
    %mul3A_624 = vector.broadcast %get3A_35 : vector<1x128xf32> to vector<2048x128xf32>
    %mul3A_625 = arith.mulf %mul3A_623, %mul3A_624 : vector<2048x128xf32>
    %add3A_626 = vector.broadcast %get3A_44 : vector<1x128xf32> to vector<2048x128xf32>
    %add3A_627 = arith.addf %mul3A_625, %add3A_626 : vector<2048x128xf32>
    %mul3A_628 = vector.broadcast %slice3A_617 : vector<2048x1xf32> to vector<2048x128xf32>
    %mul3A_629 = vector.broadcast %get3A_38 : vector<1x128xf32> to vector<2048x128xf32>
    %mul3A_630 = arith.mulf %mul3A_628, %mul3A_629 : vector<2048x128xf32>
    %add3A_631 = vector.broadcast %get3A_47 : vector<1x128xf32> to vector<2048x128xf32>
    %add3A_632 = arith.addf %mul3A_630, %add3A_631 : vector<2048x128xf32>
    %slice3A_633 = vector.extract_strided_slice %get3A_50 {offsets = [0, 0], sizes = [128, 128], strides = [1, 1]} : vector<256x128xf32> to vector<128x128xf32>
    %dot_general3A_634 = arith.constant dense<0.000000e+00> : vector<2048x128xf32>
    %dot_general3A_635 = tpu.matmul %add3A_622, %slice3A_633, %dot_general3A_634 {dimension_numbers = #tpu.dot_dimension_numbers<[1], [0], [0], [1], [0, 0, 1, 1], [], []>, transpose_lhs_hint = false} : vector<2048x128xf32>, vector<128x128xf32>, vector<2048x128xf32> -> vector<2048x128xf32>
    %slice3A_636 = vector.extract_strided_slice %get3A_53 {offsets = [0, 0], sizes = [128, 128], strides = [1, 1]} : vector<256x128xf32> to vector<128x128xf32>
    %dot_general3A_637 = arith.constant dense<0.000000e+00> : vector<2048x128xf32>
    %dot_general3A_638 = tpu.matmul %add3A_627, %slice3A_636, %dot_general3A_637 {dimension_numbers = #tpu.dot_dimension_numbers<[1], [0], [0], [1], [0, 0, 1, 1], [], []>, transpose_lhs_hint = false} : vector<2048x128xf32>, vector<128x128xf32>, vector<2048x128xf32> -> vector<2048x128xf32>
    %concatenate3A_639 = tpu.concatenate %dot_general3A_635, %dot_general3A_638 in 1 : vector<2048x128xf32>, vector<2048x128xf32> -> vector<2048x256xf32>
    %dot_general3A_640 = arith.constant dense<0.000000e+00> : vector<2048x256xf32>
    %dot_general3A_641 = tpu.matmul %add3A_611, %concatenate3A, %dot_general3A_640 {dimension_numbers = #tpu.dot_dimension_numbers<[1], [0], [0], [1], [0, 0, 1, 1], [], []>, transpose_lhs_hint = false} : vector<2048x128xf32>, vector<128x256xf32>, vector<2048x256xf32> -> vector<2048x256xf32>
    %add3A_642 = arith.addf %concatenate3A_639, %dot_general3A_641 : vector<2048x256xf32>
    %add3A_643 = vector.broadcast %concatenate3A_64 : vector<1x256xf32> to vector<2048x256xf32>
    %add3A_644 = arith.addf %add3A_642, %add3A_643 : vector<2048x256xf32>
    %logistic3A_645 = arith.negf %add3A_644 : vector<2048x256xf32>
    %logistic3A_646 = math.exp %logistic3A_645 : vector<2048x256xf32>
    %logistic3A_647 = arith.constant 1.000000e+00 : f32
    %logistic3A_648 = vector.broadcast %logistic3A_647 : f32 to vector<2048x256xf32>
    %logistic3A_649 = arith.addf %logistic3A_648, %logistic3A_646 : vector<2048x256xf32>
    %logistic3A_650 = arith.divf %logistic3A_648, %logistic3A_649 : vector<2048x256xf32>
    %slice3A_651 = vector.extract_strided_slice %logistic3A_650 {offsets = [0, 0], sizes = [2048, 128], strides = [1, 1]} : vector<2048x256xf32> to vector<2048x128xf32>
    %slice3A_652 = vector.extract_strided_slice %logistic3A_650 {offsets = [0, 128], sizes = [2048, 128], strides = [1, 1]} : vector<2048x256xf32> to vector<2048x128xf32>
    %slice3A_653 = vector.extract_strided_slice %get3A_56 {offsets = [0, 0], sizes = [128, 128], strides = [1, 1]} : vector<256x128xf32> to vector<128x128xf32>
    %dot_general3A_654 = arith.constant dense<0.000000e+00> : vector<2048x128xf32>
    %dot_general3A_655 = tpu.matmul %add3A_632, %slice3A_653, %dot_general3A_654 {dimension_numbers = #tpu.dot_dimension_numbers<[1], [0], [0], [1], [0, 0, 1, 1], [], []>, transpose_lhs_hint = false} : vector<2048x128xf32>, vector<128x128xf32>, vector<2048x128xf32> -> vector<2048x128xf32>
    %mul3A_656 = arith.mulf %add3A_611, %slice3A_652 : vector<2048x128xf32>
    %slice3A_657 = vector.extract_strided_slice %get3A_56 {offsets = [128, 0], sizes = [128, 128], strides = [1, 1]} : vector<256x128xf32> to vector<128x128xf32>
    %dot_general3A_658 = arith.constant dense<0.000000e+00> : vector<2048x128xf32>
    %dot_general3A_659 = tpu.matmul %mul3A_656, %slice3A_657, %dot_general3A_658 {dimension_numbers = #tpu.dot_dimension_numbers<[1], [0], [0], [1], [0, 0, 1, 1], [], []>, transpose_lhs_hint = false} : vector<2048x128xf32>, vector<128x128xf32>, vector<2048x128xf32> -> vector<2048x128xf32>
    %add3A_660 = arith.addf %dot_general3A_655, %dot_general3A_659 : vector<2048x128xf32>
    %get3A_661 = arith.constant 0 : index
    %get3A_662 = arith.constant 0 : index
    %get3A_663 = vector.load %arg12[%get3A_661, %get3A_662] : memref<1x128xf32, #tpu.memory_space<vmem>>, vector<1x128xf32>
    %add3A_664 = vector.broadcast %get3A_663 : vector<1x128xf32> to vector<2048x128xf32>
    %add3A_665 = arith.addf %add3A_660, %add3A_664 : vector<2048x128xf32>
    %tanh3A_666 = math.tanh %add3A_665 : vector<2048x128xf32>
    %mul3A_667 = arith.mulf %slice3A_651, %add3A_611 : vector<2048x128xf32>
    %sub3A_668 = arith.constant 1.000000e+00 : f32
    %sub3A_669 = vector.broadcast %sub3A_668 : f32 to vector<2048x128xf32>
    %sub3A_670 = arith.subf %sub3A_669, %slice3A_651 : vector<2048x128xf32>
    %mul3A_671 = arith.mulf %sub3A_670, %tanh3A_666 : vector<2048x128xf32>
    %add3A_672 = arith.addf %mul3A_667, %mul3A_671 : vector<2048x128xf32>
    %slice3A_673 = vector.extract_strided_slice %div3A_29 {offsets = [0, 9], sizes = [1, 1], strides = [1, 1]} : vector<1x12xf32> to vector<1x1xf32>
    %squeeze3A_674 = vector.extract %slice3A_673[0, 0] : f32 from vector<1x1xf32>
    %mul3A_675 = vector.broadcast %squeeze3A_674 : f32 to vector<2048x128xf32>
    %mul3A_676 = arith.mulf %mul3A_675, %add3A_672 : vector<2048x128xf32>
    %add3A_677 = arith.addf %add3A_616, %mul3A_676 : vector<2048x128xf32>
    %slice3A_678 = vector.extract_strided_slice %dot_general3A_67 {offsets = [0, 10], sizes = [2048, 1], strides = [1, 1]} : vector<2048x12xf32> to vector<2048x1xf32>
    %mul3A_679 = vector.broadcast %slice3A_678 : vector<2048x1xf32> to vector<2048x128xf32>
    %mul3A_680 = vector.broadcast %get3A_32 : vector<1x128xf32> to vector<2048x128xf32>
    %mul3A_681 = arith.mulf %mul3A_679, %mul3A_680 : vector<2048x128xf32>
    %add3A_682 = vector.broadcast %get3A_41 : vector<1x128xf32> to vector<2048x128xf32>
    %add3A_683 = arith.addf %mul3A_681, %add3A_682 : vector<2048x128xf32>
    %mul3A_684 = vector.broadcast %slice3A_678 : vector<2048x1xf32> to vector<2048x128xf32>
    %mul3A_685 = vector.broadcast %get3A_35 : vector<1x128xf32> to vector<2048x128xf32>
    %mul3A_686 = arith.mulf %mul3A_684, %mul3A_685 : vector<2048x128xf32>
    %add3A_687 = vector.broadcast %get3A_44 : vector<1x128xf32> to vector<2048x128xf32>
    %add3A_688 = arith.addf %mul3A_686, %add3A_687 : vector<2048x128xf32>
    %mul3A_689 = vector.broadcast %slice3A_678 : vector<2048x1xf32> to vector<2048x128xf32>
    %mul3A_690 = vector.broadcast %get3A_38 : vector<1x128xf32> to vector<2048x128xf32>
    %mul3A_691 = arith.mulf %mul3A_689, %mul3A_690 : vector<2048x128xf32>
    %add3A_692 = vector.broadcast %get3A_47 : vector<1x128xf32> to vector<2048x128xf32>
    %add3A_693 = arith.addf %mul3A_691, %add3A_692 : vector<2048x128xf32>
    %slice3A_694 = vector.extract_strided_slice %get3A_50 {offsets = [0, 0], sizes = [128, 128], strides = [1, 1]} : vector<256x128xf32> to vector<128x128xf32>
    %dot_general3A_695 = arith.constant dense<0.000000e+00> : vector<2048x128xf32>
    %dot_general3A_696 = tpu.matmul %add3A_683, %slice3A_694, %dot_general3A_695 {dimension_numbers = #tpu.dot_dimension_numbers<[1], [0], [0], [1], [0, 0, 1, 1], [], []>, transpose_lhs_hint = false} : vector<2048x128xf32>, vector<128x128xf32>, vector<2048x128xf32> -> vector<2048x128xf32>
    %slice3A_697 = vector.extract_strided_slice %get3A_53 {offsets = [0, 0], sizes = [128, 128], strides = [1, 1]} : vector<256x128xf32> to vector<128x128xf32>
    %dot_general3A_698 = arith.constant dense<0.000000e+00> : vector<2048x128xf32>
    %dot_general3A_699 = tpu.matmul %add3A_688, %slice3A_697, %dot_general3A_698 {dimension_numbers = #tpu.dot_dimension_numbers<[1], [0], [0], [1], [0, 0, 1, 1], [], []>, transpose_lhs_hint = false} : vector<2048x128xf32>, vector<128x128xf32>, vector<2048x128xf32> -> vector<2048x128xf32>
    %concatenate3A_700 = tpu.concatenate %dot_general3A_696, %dot_general3A_699 in 1 : vector<2048x128xf32>, vector<2048x128xf32> -> vector<2048x256xf32>
    %dot_general3A_701 = arith.constant dense<0.000000e+00> : vector<2048x256xf32>
    %dot_general3A_702 = tpu.matmul %add3A_672, %concatenate3A, %dot_general3A_701 {dimension_numbers = #tpu.dot_dimension_numbers<[1], [0], [0], [1], [0, 0, 1, 1], [], []>, transpose_lhs_hint = false} : vector<2048x128xf32>, vector<128x256xf32>, vector<2048x256xf32> -> vector<2048x256xf32>
    %add3A_703 = arith.addf %concatenate3A_700, %dot_general3A_702 : vector<2048x256xf32>
    %add3A_704 = vector.broadcast %concatenate3A_64 : vector<1x256xf32> to vector<2048x256xf32>
    %add3A_705 = arith.addf %add3A_703, %add3A_704 : vector<2048x256xf32>
    %logistic3A_706 = arith.negf %add3A_705 : vector<2048x256xf32>
    %logistic3A_707 = math.exp %logistic3A_706 : vector<2048x256xf32>
    %logistic3A_708 = arith.constant 1.000000e+00 : f32
    %logistic3A_709 = vector.broadcast %logistic3A_708 : f32 to vector<2048x256xf32>
    %logistic3A_710 = arith.addf %logistic3A_709, %logistic3A_707 : vector<2048x256xf32>
    %logistic3A_711 = arith.divf %logistic3A_709, %logistic3A_710 : vector<2048x256xf32>
    %slice3A_712 = vector.extract_strided_slice %logistic3A_711 {offsets = [0, 0], sizes = [2048, 128], strides = [1, 1]} : vector<2048x256xf32> to vector<2048x128xf32>
    %slice3A_713 = vector.extract_strided_slice %logistic3A_711 {offsets = [0, 128], sizes = [2048, 128], strides = [1, 1]} : vector<2048x256xf32> to vector<2048x128xf32>
    %slice3A_714 = vector.extract_strided_slice %get3A_56 {offsets = [0, 0], sizes = [128, 128], strides = [1, 1]} : vector<256x128xf32> to vector<128x128xf32>
    %dot_general3A_715 = arith.constant dense<0.000000e+00> : vector<2048x128xf32>
    %dot_general3A_716 = tpu.matmul %add3A_693, %slice3A_714, %dot_general3A_715 {dimension_numbers = #tpu.dot_dimension_numbers<[1], [0], [0], [1], [0, 0, 1, 1], [], []>, transpose_lhs_hint = false} : vector<2048x128xf32>, vector<128x128xf32>, vector<2048x128xf32> -> vector<2048x128xf32>
    %mul3A_717 = arith.mulf %add3A_672, %slice3A_713 : vector<2048x128xf32>
    %slice3A_718 = vector.extract_strided_slice %get3A_56 {offsets = [128, 0], sizes = [128, 128], strides = [1, 1]} : vector<256x128xf32> to vector<128x128xf32>
    %dot_general3A_719 = arith.constant dense<0.000000e+00> : vector<2048x128xf32>
    %dot_general3A_720 = tpu.matmul %mul3A_717, %slice3A_718, %dot_general3A_719 {dimension_numbers = #tpu.dot_dimension_numbers<[1], [0], [0], [1], [0, 0, 1, 1], [], []>, transpose_lhs_hint = false} : vector<2048x128xf32>, vector<128x128xf32>, vector<2048x128xf32> -> vector<2048x128xf32>
    %add3A_721 = arith.addf %dot_general3A_716, %dot_general3A_720 : vector<2048x128xf32>
    %get3A_722 = arith.constant 0 : index
    %get3A_723 = arith.constant 0 : index
    %get3A_724 = vector.load %arg12[%get3A_722, %get3A_723] : memref<1x128xf32, #tpu.memory_space<vmem>>, vector<1x128xf32>
    %add3A_725 = vector.broadcast %get3A_724 : vector<1x128xf32> to vector<2048x128xf32>
    %add3A_726 = arith.addf %add3A_721, %add3A_725 : vector<2048x128xf32>
    %tanh3A_727 = math.tanh %add3A_726 : vector<2048x128xf32>
    %mul3A_728 = arith.mulf %slice3A_712, %add3A_672 : vector<2048x128xf32>
    %sub3A_729 = arith.constant 1.000000e+00 : f32
    %sub3A_730 = vector.broadcast %sub3A_729 : f32 to vector<2048x128xf32>
    %sub3A_731 = arith.subf %sub3A_730, %slice3A_712 : vector<2048x128xf32>
    %mul3A_732 = arith.mulf %sub3A_731, %tanh3A_727 : vector<2048x128xf32>
    %add3A_733 = arith.addf %mul3A_728, %mul3A_732 : vector<2048x128xf32>
    %slice3A_734 = vector.extract_strided_slice %div3A_29 {offsets = [0, 10], sizes = [1, 1], strides = [1, 1]} : vector<1x12xf32> to vector<1x1xf32>
    %squeeze3A_735 = vector.extract %slice3A_734[0, 0] : f32 from vector<1x1xf32>
    %mul3A_736 = vector.broadcast %squeeze3A_735 : f32 to vector<2048x128xf32>
    %mul3A_737 = arith.mulf %mul3A_736, %add3A_733 : vector<2048x128xf32>
    %add3A_738 = arith.addf %add3A_677, %mul3A_737 : vector<2048x128xf32>
    %slice3A_739 = vector.extract_strided_slice %dot_general3A_67 {offsets = [0, 11], sizes = [2048, 1], strides = [1, 1]} : vector<2048x12xf32> to vector<2048x1xf32>
    %mul3A_740 = vector.broadcast %slice3A_739 : vector<2048x1xf32> to vector<2048x128xf32>
    %mul3A_741 = vector.broadcast %get3A_32 : vector<1x128xf32> to vector<2048x128xf32>
    %mul3A_742 = arith.mulf %mul3A_740, %mul3A_741 : vector<2048x128xf32>
    %add3A_743 = vector.broadcast %get3A_41 : vector<1x128xf32> to vector<2048x128xf32>
    %add3A_744 = arith.addf %mul3A_742, %add3A_743 : vector<2048x128xf32>
    %mul3A_745 = vector.broadcast %slice3A_739 : vector<2048x1xf32> to vector<2048x128xf32>
    %mul3A_746 = vector.broadcast %get3A_35 : vector<1x128xf32> to vector<2048x128xf32>
    %mul3A_747 = arith.mulf %mul3A_745, %mul3A_746 : vector<2048x128xf32>
    %add3A_748 = vector.broadcast %get3A_44 : vector<1x128xf32> to vector<2048x128xf32>
    %add3A_749 = arith.addf %mul3A_747, %add3A_748 : vector<2048x128xf32>
    %mul3A_750 = vector.broadcast %slice3A_739 : vector<2048x1xf32> to vector<2048x128xf32>
    %mul3A_751 = vector.broadcast %get3A_38 : vector<1x128xf32> to vector<2048x128xf32>
    %mul3A_752 = arith.mulf %mul3A_750, %mul3A_751 : vector<2048x128xf32>
    %add3A_753 = vector.broadcast %get3A_47 : vector<1x128xf32> to vector<2048x128xf32>
    %add3A_754 = arith.addf %mul3A_752, %add3A_753 : vector<2048x128xf32>
    %slice3A_755 = vector.extract_strided_slice %get3A_50 {offsets = [0, 0], sizes = [128, 128], strides = [1, 1]} : vector<256x128xf32> to vector<128x128xf32>
    %dot_general3A_756 = arith.constant dense<0.000000e+00> : vector<2048x128xf32>
    %dot_general3A_757 = tpu.matmul %add3A_744, %slice3A_755, %dot_general3A_756 {dimension_numbers = #tpu.dot_dimension_numbers<[1], [0], [0], [1], [0, 0, 1, 1], [], []>, transpose_lhs_hint = false} : vector<2048x128xf32>, vector<128x128xf32>, vector<2048x128xf32> -> vector<2048x128xf32>
    %slice3A_758 = vector.extract_strided_slice %get3A_53 {offsets = [0, 0], sizes = [128, 128], strides = [1, 1]} : vector<256x128xf32> to vector<128x128xf32>
    %dot_general3A_759 = arith.constant dense<0.000000e+00> : vector<2048x128xf32>
    %dot_general3A_760 = tpu.matmul %add3A_749, %slice3A_758, %dot_general3A_759 {dimension_numbers = #tpu.dot_dimension_numbers<[1], [0], [0], [1], [0, 0, 1, 1], [], []>, transpose_lhs_hint = false} : vector<2048x128xf32>, vector<128x128xf32>, vector<2048x128xf32> -> vector<2048x128xf32>
    %concatenate3A_761 = tpu.concatenate %dot_general3A_757, %dot_general3A_760 in 1 : vector<2048x128xf32>, vector<2048x128xf32> -> vector<2048x256xf32>
    %dot_general3A_762 = arith.constant dense<0.000000e+00> : vector<2048x256xf32>
    %dot_general3A_763 = tpu.matmul %add3A_733, %concatenate3A, %dot_general3A_762 {dimension_numbers = #tpu.dot_dimension_numbers<[1], [0], [0], [1], [0, 0, 1, 1], [], []>, transpose_lhs_hint = false} : vector<2048x128xf32>, vector<128x256xf32>, vector<2048x256xf32> -> vector<2048x256xf32>
    %add3A_764 = arith.addf %concatenate3A_761, %dot_general3A_763 : vector<2048x256xf32>
    %add3A_765 = vector.broadcast %concatenate3A_64 : vector<1x256xf32> to vector<2048x256xf32>
    %add3A_766 = arith.addf %add3A_764, %add3A_765 : vector<2048x256xf32>
    %logistic3A_767 = arith.negf %add3A_766 : vector<2048x256xf32>
    %logistic3A_768 = math.exp %logistic3A_767 : vector<2048x256xf32>
    %logistic3A_769 = arith.constant 1.000000e+00 : f32
    %logistic3A_770 = vector.broadcast %logistic3A_769 : f32 to vector<2048x256xf32>
    %logistic3A_771 = arith.addf %logistic3A_770, %logistic3A_768 : vector<2048x256xf32>
    %logistic3A_772 = arith.divf %logistic3A_770, %logistic3A_771 : vector<2048x256xf32>
    %slice3A_773 = vector.extract_strided_slice %logistic3A_772 {offsets = [0, 0], sizes = [2048, 128], strides = [1, 1]} : vector<2048x256xf32> to vector<2048x128xf32>
    %slice3A_774 = vector.extract_strided_slice %logistic3A_772 {offsets = [0, 128], sizes = [2048, 128], strides = [1, 1]} : vector<2048x256xf32> to vector<2048x128xf32>
    %slice3A_775 = vector.extract_strided_slice %get3A_56 {offsets = [0, 0], sizes = [128, 128], strides = [1, 1]} : vector<256x128xf32> to vector<128x128xf32>
    %dot_general3A_776 = arith.constant dense<0.000000e+00> : vector<2048x128xf32>
    %dot_general3A_777 = tpu.matmul %add3A_754, %slice3A_775, %dot_general3A_776 {dimension_numbers = #tpu.dot_dimension_numbers<[1], [0], [0], [1], [0, 0, 1, 1], [], []>, transpose_lhs_hint = false} : vector<2048x128xf32>, vector<128x128xf32>, vector<2048x128xf32> -> vector<2048x128xf32>
    %mul3A_778 = arith.mulf %add3A_733, %slice3A_774 : vector<2048x128xf32>
    %slice3A_779 = vector.extract_strided_slice %get3A_56 {offsets = [128, 0], sizes = [128, 128], strides = [1, 1]} : vector<256x128xf32> to vector<128x128xf32>
    %dot_general3A_780 = arith.constant dense<0.000000e+00> : vector<2048x128xf32>
    %dot_general3A_781 = tpu.matmul %mul3A_778, %slice3A_779, %dot_general3A_780 {dimension_numbers = #tpu.dot_dimension_numbers<[1], [0], [0], [1], [0, 0, 1, 1], [], []>, transpose_lhs_hint = false} : vector<2048x128xf32>, vector<128x128xf32>, vector<2048x128xf32> -> vector<2048x128xf32>
    %add3A_782 = arith.addf %dot_general3A_777, %dot_general3A_781 : vector<2048x128xf32>
    %get3A_783 = arith.constant 0 : index
    %get3A_784 = arith.constant 0 : index
    %get3A_785 = vector.load %arg12[%get3A_783, %get3A_784] : memref<1x128xf32, #tpu.memory_space<vmem>>, vector<1x128xf32>
    %add3A_786 = vector.broadcast %get3A_785 : vector<1x128xf32> to vector<2048x128xf32>
    %add3A_787 = arith.addf %add3A_782, %add3A_786 : vector<2048x128xf32>
    %tanh3A_788 = math.tanh %add3A_787 : vector<2048x128xf32>
    %mul3A_789 = arith.mulf %slice3A_773, %add3A_733 : vector<2048x128xf32>
    %sub3A_790 = arith.constant 1.000000e+00 : f32
    %sub3A_791 = vector.broadcast %sub3A_790 : f32 to vector<2048x128xf32>
    %sub3A_792 = arith.subf %sub3A_791, %slice3A_773 : vector<2048x128xf32>
    %mul3A_793 = arith.mulf %sub3A_792, %tanh3A_788 : vector<2048x128xf32>
    %add3A_794 = arith.addf %mul3A_789, %mul3A_793 : vector<2048x128xf32>
    %slice3A_795 = vector.extract_strided_slice %div3A_29 {offsets = [0, 11], sizes = [1, 1], strides = [1, 1]} : vector<1x12xf32> to vector<1x1xf32>
    %squeeze3A_796 = vector.extract %slice3A_795[0, 0] : f32 from vector<1x1xf32>
    %mul3A_797 = vector.broadcast %squeeze3A_796 : f32 to vector<2048x128xf32>
    %mul3A_798 = arith.mulf %mul3A_797, %add3A_794 : vector<2048x128xf32>
    %add3A_799 = arith.addf %add3A_738, %mul3A_798 : vector<2048x128xf32>
    %max3A = arith.constant 0.000000e+00 : f32
    %max3A_800 = vector.broadcast %max3A : f32 to vector<2048x128xf32>
    %max3A_801 = arith.maximumf %add3A_799, %max3A_800 : vector<2048x128xf32>
    %get3A_802 = arith.constant 0 : index
    %get3A_803 = arith.constant 0 : index
    %get3A_804 = vector.load %arg17[%get3A_802, %get3A_803] : memref<128x1xf32, #tpu.memory_space<vmem>>, vector<128x1xf32>
    %dot_general3A_805 = arith.constant dense<0.000000e+00> : vector<2048x1xf32>
    %dot_general3A_806 = tpu.matmul %max3A_801, %get3A_804, %dot_general3A_805 {dimension_numbers = #tpu.dot_dimension_numbers<[1], [0], [0], [1], [0, 0, 1, 1], [], []>, transpose_lhs_hint = false} : vector<2048x128xf32>, vector<128x1xf32>, vector<2048x1xf32> -> vector<2048x1xf32>
    %get3A_807 = arith.constant 0 : index
    %get3A_808 = arith.constant 0 : index
    %get3A_809 = vector.load %arg18[%get3A_807, %get3A_808] : memref<1x1xf32, #tpu.memory_space<vmem>>, vector<1x1xf32>
    %add3A_810 = vector.broadcast %get3A_809 : vector<1x1xf32> to vector<2048x1xf32>
    %add3A_811 = arith.addf %dot_general3A_806, %add3A_810 : vector<2048x1xf32>
    %swap3A = arith.constant 0 : index
    %swap3A_812 = arith.constant 0 : index
    %swap3A_813 = vector.load %arg19[%swap3A, %swap3A_812] : memref<2048x1xf32, #tpu.memory_space<vmem>>, vector<2048x1xf32>
    tpu.vector_store %arg19[%swap3A, %swap3A_812], %add3A_811 {strides = array<i32>} : memref<2048x1xf32, #tpu.memory_space<vmem>>, vector<2048x1xf32>,
    return
  }
  func.func @transform_0(%arg0: i32) -> (i32, i32, i32) {
    %c0_i32 = arith.constant 0 : i32
    %c0_i32_0 = arith.constant 0 : i32
    %c0_i32_1 = arith.constant 0 : i32
    return %c0_i32, %c0_i32_0, %arg0 : i32, i32, i32
  }
  func.func @transform_1(%arg0: i32) -> (i32, i32) {
    %c0_i32 = arith.constant 0 : i32
    %c0_i32_0 = arith.constant 0 : i32
    return %c0_i32, %arg0 : i32, i32
  }
  func.func @transform_2(%arg0: i32) -> (i32, i32) {
    %c0_i32 = arith.constant 0 : i32
    %c0_i32_0 = arith.constant 0 : i32
    return %c0_i32, %arg0 : i32, i32
  }
  func.func @transform_3(%arg0: i32) -> (i32, i32) {
    %c0_i32 = arith.constant 0 : i32
    %c0_i32_0 = arith.constant 0 : i32
    %c0_i32_1 = arith.constant 0 : i32
    return %c0_i32, %c0_i32_0 : i32, i32
  }
  func.func @transform_4(%arg0: i32) -> (i32, i32) {
    %c0_i32 = arith.constant 0 : i32
    %c0_i32_0 = arith.constant 0 : i32
    %c0_i32_1 = arith.constant 0 : i32
    return %c0_i32, %c0_i32_0 : i32, i32
  }
  func.func @transform_5(%arg0: i32) -> (i32, i32) {
    %c0_i32 = arith.constant 0 : i32
    %c0_i32_0 = arith.constant 0 : i32
    %c0_i32_1 = arith.constant 0 : i32
    return %c0_i32, %c0_i32_0 : i32, i32
  }
  func.func @transform_6(%arg0: i32) -> (i32, i32) {
    %c0_i32 = arith.constant 0 : i32
    %c0_i32_0 = arith.constant 0 : i32
    %c0_i32_1 = arith.constant 0 : i32
    return %c0_i32, %c0_i32_0 : i32, i32
  }
  func.func @transform_7(%arg0: i32) -> (i32, i32) {
    %c0_i32 = arith.constant 0 : i32
    %c0_i32_0 = arith.constant 0 : i32
    %c0_i32_1 = arith.constant 0 : i32
    return %c0_i32, %c0_i32_0 : i32, i32
  }
  func.func @transform_8(%arg0: i32) -> (i32, i32) {
    %c0_i32 = arith.constant 0 : i32
    %c0_i32_0 = arith.constant 0 : i32
    %c0_i32_1 = arith.constant 0 : i32
    return %c0_i32, %c0_i32_0 : i32, i32
  }
  func.func @transform_9(%arg0: i32) -> (i32, i32) {
    %c0_i32 = arith.constant 0 : i32
    %c0_i32_0 = arith.constant 0 : i32
    %c0_i32_1 = arith.constant 0 : i32
    return %c0_i32, %c0_i32_0 : i32, i32
  }
  func.func @transform_10(%arg0: i32) -> (i32, i32) {
    %c0_i32 = arith.constant 0 : i32
    %c0_i32_0 = arith.constant 0 : i32
    %c0_i32_1 = arith.constant 0 : i32
    return %c0_i32, %c0_i32_0 : i32, i32
  }
  func.func @transform_11(%arg0: i32) -> (i32, i32) {
    %c0_i32 = arith.constant 0 : i32
    %c0_i32_0 = arith.constant 0 : i32
    %c0_i32_1 = arith.constant 0 : i32
    return %c0_i32, %c0_i32_0 : i32, i32
  }
  func.func @transform_12(%arg0: i32) -> (i32, i32) {
    %c0_i32 = arith.constant 0 : i32
    %c0_i32_0 = arith.constant 0 : i32
    %c0_i32_1 = arith.constant 0 : i32
    return %c0_i32, %c0_i32_0 : i32, i32
  }
  func.func @transform_13(%arg0: i32) -> (i32, i32) {
    %c0_i32 = arith.constant 0 : i32
    %c0_i32_0 = arith.constant 0 : i32
    %c0_i32_1 = arith.constant 0 : i32
    return %c0_i32, %c0_i32_0 : i32, i32
  }
  func.func @transform_14(%arg0: i32) -> (i32, i32) {
    %c0_i32 = arith.constant 0 : i32
    %c0_i32_0 = arith.constant 0 : i32
    %c0_i32_1 = arith.constant 0 : i32
    return %c0_i32, %c0_i32_0 : i32, i32
  }
  func.func @transform_15(%arg0: i32) -> (i32, i32) {
    %c0_i32 = arith.constant 0 : i32
    %c0_i32_0 = arith.constant 0 : i32
    %c0_i32_1 = arith.constant 0 : i32
    return %c0_i32, %c0_i32_0 : i32, i32
  }
  func.func @transform_16(%arg0: i32) -> (i32, i32) {
    %c0_i32 = arith.constant 0 : i32
    %c0_i32_0 = arith.constant 0 : i32
    %c0_i32_1 = arith.constant 0 : i32
    return %c0_i32, %c0_i32_0 : i32, i32
  }
  func.func @transform_17(%arg0: i32) -> (i32, i32) {
    %c0_i32 = arith.constant 0 : i32
    %c0_i32_0 = arith.constant 0 : i32
    %c0_i32_1 = arith.constant 0 : i32
    return %c0_i32, %c0_i32_0 : i32, i32
  }
  func.func @transform_18(%arg0: i32) -> (i32, i32) {
    %c0_i32 = arith.constant 0 : i32
    %c0_i32_0 = arith.constant 0 : i32
    return %arg0, %c0_i32 : i32, i32
  }
}

</mosaic_0001>

<sc_bundles>
// kernel: kernel.6.cloned.1.call-start
scs
__scs_entry_jumppad:
0x0: {  	(pc) =	sbr.rel $0x88, $3  }
0x1: {  	(tag) =	ssettag $0x0;
	lr =	simm.s32 $0x1  }
0x2: {  	[smem:$0x3F8F] =	sst lr;
	_ =	strace $0xD0000000  }
0x3: {  	_ = 	snop  }
0x4: {  	_ = 	snop  }
0x5: {  	_ = 	snop  }
0x6: {  	_ = 	snop  }
0x7: {  	_ = 	snop  }
__scs_overlays_trampoline_lowered:
0x8: {  	[smem:$0x3F9E] =	sst s0  }
0x9: {  	[smem:$0x3F9F] =	sst s1  }
0xa: {  	[smem:$0x3FA0] =	sst s2  }
0xb: {  	[smem:$0x3FA1] =	sst s3  }
0xc: {  	[smem:$0x3FA2] =	sst s4  }
0xd: {  	[smem:$0x3FA3] =	sst s5  }
0xe: {  	[smem:$0x3FA4] =	sst s6  }
0xf: {  	[smem:$0x3FA5] =	sst s7  }
0x10: {  	[smem:$0x3FA6] =	sst s8  }
0x11: {  	[smem:$0x3FA7] =	sst s9;
	s0 =	simm.s32 @!p0 $0x0  }
0x12: {  	s1 =	sld [smem:$0x3F8D];
	s0 =	simm.s32 @p0 $0x1  }
0x13: {  	[smem:$0x3FA8] =	sst s0;
	s0 =	simm.s32 @!p1 $0x0  }
0x14: {  	s2 =	sld [smem:$0x3F8C];
	s0 =	simm.s32 @p1 $0x1  }
0x15: {  	[smem:$0x3FA9] =	sst s0;
	s0 =	simm.s32 @!p2 $0x0  }
0x16: {  	s3 =	sld [smem:$0x3FDB];
	s0 =	simm.s32 @p2 $0x1  }
0x17: {  	s4 =	simm.s32 $0x1BF5;
	[smem:$0x3FAB] =	sst s0  }
0x18: {  	s0 =	sld [smem:$0x3F8E];
	_ =	swait.ge [sflag:s4], $0x0  }
0x19: {  	s7 =	sld [smem:$0x3F8F]  }
0x1a: {  	s8 =	sadd.s32 $0xFFFFE003, lr  }
0x1b: {  	s9 =	sadd.s32 $0xFFFFFEF7, lr;
	s5 =	simm.s32 $0xFFFFFFFF;
	p2 =	slt.u32 s8, $0xFFFFF086  }
0x1c: {  	p1 =	slt.u32 s9, $0xF7A;
	s5 =	simm.s32 @!p2 $0x0  }
0x1d: {  	s5 =	simm.s32 @p1 $0x1;
	p0 =	seq.s32 s7, s2  }
0x1e: {  	s7 =	smul.u32 @!p0 $0xF7A, s2;
	p2 =	seq.s32 @!p0 s5, $0x0  }
0x1f: {  	s9 =	smul.u32 $0xF7A, s1;
	s8 =	simm.s32 @!p0 $0x1BF5;
	p2 =	por !p2, p0  }
0x20: {  	[sflag:s8] =	ssyncset.s32 @!p0 $0xFFFFF086;
	s6 =	sadd.s32 @!p0 s3, s7;
	s7 =	simm.s32 @!p0 $0x108  }
0x21: {  	s3 =	sadd.s32 s3, s9;
	s6 =	sadd.s32 @!p0 $0x88, s6;
	s7 =	simm.s32 @p2 $0x1082  }
0x22: {  	[simem:s7], [sflag:s8] =	dma.local @!p0 [hbm:s6], $0xF7A  }
0x23: {  	s9 =	sor.u32 $0xD0000000, s2;
	s6 =	simm.s32 $0x108;
	_ =	swait.ge @!p0 [sflag:s8], $0x0  }
0x24: {  	s3 =	sadd.s32 $0x88, s3;
	s6 =	simm.s32 @!p1 $0x1082;
	[sflag:s4] =	ssyncset.s32 $0xFFFFF086  }
0x25: {  	[simem:s6], [sflag:s4] =	dma.local [hbm:s3], $0xF7A  }
0x26: {  	[smem:$0x3F8F] =	sst s1;
	(tag) =	ssettag s2;
	_ =	strace s9  }
0x27: {  	s1 =	sld [smem:$0x3F9F]  }
0x28: {  	s2 =	sld [smem:$0x3FA0]  }
0x29: {  	s4 =	sld [smem:$0x3FA2]  }
0x2a: {  	p0 =	seq.s32 s5, $0x0;
	s5 =	sld [smem:$0x3FA3]  }
0x2b: {  	s6 =	sld [smem:$0x3FA4]  }
0x2c: {  	s7 =	sld [smem:$0x3FA5]  }
0x2d: {  	s3 =	simm.s32 $0x108;
	s8 =	sld [smem:$0x3FA6]  }
0x2e: {  	s3 =	simm.s32 @!p0 $0x1082;
	s9 =	sld [smem:$0x3FA7]  }
0x2f: {  	lr =	sadd.s32 s0, s3;
	s0 =	sld [smem:$0x3F9E]  }
0x30: {  	s3 =	sld [smem:$0x3FA1]  }
0x31: {  	[smem:$0x3FAA] =	sst s10  }
0x32: {  	s10 =	sld [smem:$0x3FA8];
	_ =	sdelay $0x3  }
0x33: {  	p0 =	seq.s32 s10, $0x1;
	s10 =	sld [smem:$0x3FAA];
	_ =	sdelay $0x3  }
0x34: {  	[smem:$0x3FAA] =	sst s10  }
0x35: {  	s10 =	sld [smem:$0x3FA9];
	_ =	sdelay $0x3  }
0x36: {  	p1 =	seq.s32 s10, $0x1;
	s10 =	sld [smem:$0x3FAA];
	_ =	sdelay $0x3  }
0x37: {  	[smem:$0x3FAA] =	sst s10  }
0x38: {  	s10 =	sld [smem:$0x3FAB]  }
0x39: {  	_ = 	snop;
	(pc) =	sbr.ind lr, $3  }
0x3a: {  	_ = 	snop  }
0x3b: {  	_ = 	snop  }
0x3c: {  	p2 =	seq.s32 s10, $0x1;
	s10 =	sld [smem:$0x3FAA]  }
0x3d: {  	_ =	shalt  }
0x3e: {  	_ =	shalt  }
0x3f: {  	_ =	shalt  }
0x40: {  	_ =	shalt  }
0x41: {  	_ =	shalt  }
0x42: {  	_ =	shalt  }
0x43: {  	_ =	shalt  }
0x44: {  	_ =	shalt  }
0x45: {  	_ =	shalt  }
0x46: {  	_ =	shalt  }
0x47: {  	_ =	shalt  }
0x48: {  	_ =	shalt  }
0x49: {  	_ =	shalt  }
0x4a: {  	_ =	shalt  }
0x4b: {  	_ =	shalt  }
0x4c: {  	_ =	shalt  }
0x4d: {  	_ =	shalt  }
0x4e: {  	_ =	shalt  }
0x4f: {  	_ =	shalt  }
0x50: {  	_ =	shalt  }
0x51: {  	_ =	shalt  }
0x52: {  	_ =	shalt  }
0x53: {  	_ =	shalt  }
0x54: {  	_ =	shalt  }
0x55: {  	_ =	shalt  }
0x56: {  	_ =	shalt  }
0x57: {  	_ =	shalt  }
0x58: {  	_ =	shalt  }
0x59: {  	_ =	shalt  }
0x5a: {  	_ =	shalt  }
0x5b: {  	_ =	shalt  }
0x5c: {  	_ =	shalt  }
0x5d: {  	_ =	shalt  }
0x5e: {  	_ =	shalt  }
0x5f: {  	_ =	shalt  }
0x60: {  	_ =	shalt  }
0x61: {  	_ =	shalt  }
0x62: {  	_ =	shalt  }
0x63: {  	_ =	shalt  }
0x64: {  	_ =	shalt  }
0x65: {  	_ =	shalt  }
0x66: {  	_ =	shalt  }
0x67: {  	_ =	shalt  }
0x68: {  	_ =	shalt  }
0x69: {  	_ =	shalt  }
0x6a: {  	_ =	shalt  }
0x6b: {  	_ =	shalt  }
0x6c: {  	_ =	shalt  }
0x6d: {  	_ =	shalt  }
0x6e: {  	_ =	shalt  }
0x6f: {  	_ =	shalt  }
0x70: {  	_ =	shalt  }
0x71: {  	_ =	shalt  }
0x72: {  	_ =	shalt  }
0x73: {  	_ =	shalt  }
0x74: {  	_ =	shalt  }
0x75: {  	_ =	shalt  }
0x76: {  	_ =	shalt  }
0x77: {  	_ =	shalt  }
0x78: {  	_ =	shalt  }
0x79: {  	_ =	shalt  }
0x7a: {  	_ =	shalt  }
0x7b: {  	_ =	shalt  }
0x7c: {  	_ =	shalt  }
0x7d: {  	_ =	shalt  }
0x7e: {  	_ =	shalt  }
0x7f: {  	_ =	shalt  }
0x80: {  	_ =	shalt  }
0x81: {  	_ =	shalt  }
0x82: {  	_ =	shalt  }
0x83: {  	_ =	shalt  }
0x84: {  	_ =	shalt  }
0x85: {  	_ =	shalt  }
0x86: {  	_ =	shalt  }
0x87: {  	_ =	shalt  }
.Lfunc_end0:
.L_simem_size_0:
called_computation_lowered:
.L_overlay_start_0:
0x88: {  	s2 =	sld [smem:$0x3FD9]  }
0x89: {  	s3 =	sld [smem:$0x3FFE];
	_ =	sdelay $0x1  }
0x8a: {  	s1 =	srdreg.scid  }
0x8b: {  	s0 =	sand.u32 $0x1, s1  }
0x8c: {  	s17 =	sshll.u32 s0, $0xA;
	s2 =	sadd.s32 s3, s2  }
0x8d: {  	s2 =	sadd.s32 s2, s17  }
0x8e: {  	[smem:$0x3FB6] =	sst s2  }
0x8f: {  	_ = 	snop  }
0x90: {  	s2 =	sld [smem:$0x3FC7];
	(tm) =	ssettm $0x1  }
0x91: {  	s18 =	sld [smem:$0x3FFB];
	_ =	sdelay $0x3  }
0x92: {  	_ =	strace s18  }
0x93: {  	s3 =	sld [smem:$0x3FFC];
	_ =	sdelay $0x3  }
0x94: {  	_ =	strace s3  }
0x95: {  	s3 =	sld [smem:$0x3FFD];
	_ =	sdelay $0x3  }
0x96: {  	_ =	strace s3  }
0x97: {  	_ =	strace $0x8FFFFFFF  }
0x98: {  	s19 =	sld [smem:$0x3FDB];
	_ =	sdelay $0x1  }
0x99: {  	s4 =	simm.s32 $_scs_section_size  }
0x9a: {  	s5 =	simm.s32 $_size__tile_overlayer_lowered;
	s6 =	simm.s32 $_tile_overlayer_lowered  }
0x9b: {  	s22 =	simm.s32 $0x1BFF;
	s21 =	sshll.u32 s6, $0x1;
	s3 =	sadd.s32 s4, s19  }
0x9c: {  	s7 =	simm.s32 $0x0;
	s20 =	sshll.u32 s5, $0x1;
	s5 =	sadd.s32 s21, s3  }
0x9d: {  	[timem:s7], [sflag:s22] =	dma.local [hbm:s5], s20  }
0x9e: {  	_ =	swait.ge [sflag:s22], s20  }
0x9f: {  	s4 =	ssub.s32 $0x0, s20;
	[sflag:s22] =	ssyncset.done $0x0  }
0xa0: {  	[sflag:s22] =	ssyncadd.s32 s4;
	_ =	sdelay $0x1  }
0xa1: {  	s23 =	simm.s32 $0x1B8B  }
0xa2: {  	_ =	swait.ge [sflag:s23], $0x1  }
0xa3: {  	[sflag:s23] =	ssyncset.done $0x0  }
0xa4: {  	s25 =	simm.s32 $0x1B8E;
	s24 =	sld [smem:$0x3FFE];
	[sflag:s23] =	ssyncadd.s32 $0xFFFFFFFF  }
0xa5: {  	s26 =	simm.s32 $execute0_lowered;
	[smem:$0x3FD2] =	sst s25  }
0xa6: {  	s5 =	sshll.u32 s26, $0x1;
	_ =	strace $0x80000046;
	[dreg:$0x1] =	wrdreg $0xFFFFFFFF  }
0xa7: {  	s28 =	simm.s32 $_size_execute0_lowered;
	s3 =	sadd.s32 s3, s5;
	[dreg:$0x0] =	wrdreg $0x0  }
0xa8: {  	s5 =	sshll.u32 s28, $0x1;
	[dreg:$0x2] =	wrdreg s3  }
0xa9: {  	[dreg:$0x3] =	wrdreg s5  }
0xaa: {  	[dreg:$0x4] =	wrdreg $0xC0  }
0xab: {  	_ =	task [dreg:s7], $0x5FFFF  }
0xac: {  	[dreg:$0x1] =	wrdreg $0xFFFFFFFF  }
0xad: {  	[dreg:$0x0] =	wrdreg $0x60  }
0xae: {  	[dreg:$0x2] =	wrdreg s24  }
0xaf: {  	[dreg:$0x3] =	wrdreg s2  }
0xb0: {  	[dreg:$0x4] =	wrdreg $0x9  }
0xb1: {  	_ =	task.clear_ibuf [dreg:s7], $0x5FFFF;
	_ =	strace $0x90000046  }
0xb2: {  	s29 =	simm.s32 $0x9;
	_ =	strace $0x80000048  }
0xb3: {  	_ =	swait.ge [sflag:s29], $0x1  }
0xb4: {  	[sflag:s29] =	ssyncadd.s32 $0xFFFFFFFF  }
0xb5: {  	_ =	strace $0x90000048  }
0xb6: {  	_ =	sfence  }
0xb7: {  	s30 =	sld [smem:$0x0];
	_ =	sdelay $0x2  }
0xb8: {  	s31 =	sshll.u32 s1, $0xD;
	s1 =	sshrl.u32 s1, $0x2  }
0xb9: {  	s3 =	sand.u32 $0x4000, s31;
	s1 =	sadd.s32 s1, s30  }
0xba: {  	s0 =	sor.u32 s3, s0;
	s1 =	sshll.u32 s1, $0x11  }
0xbb: {  	s0 =	sor.u32 s1, s0  }
0xbc: {  	s0 =	sadd.s32 $0x8F2B, s0  }
0xbd: {  	[sflag:s0] =	ssyncadd.remote.s32 $0x1  }
0xbe: {  	_ =	sfence.sel $0xFFFF  }
0xbf: {  	[dreg:$0x0] =	wrdreg $0xFFFFFFFF;
	(pc) =	sbr.abs _section_cstart, $3  }
0xc0: {  	[dreg:$0x1] =	wrdreg $0xFFFFFFFF  }
0xc1: {  	_ =	task.clear_ibuf [dreg:s7], $0x2FFFF;
	_ =	strace $0x9FFFFFFF  }
0xc2: {  	(tm) =	ssettm $0x7FFFFFFF  }
0xc3: {  	_ =	shalt  }
tec
execute0_lowered:
.L_overlay_start_1:
0x0: {  	(tag) =	ssettag $0x1  }
0x1: {  	s3 =	rddreg [dreg:$0x0]  }
0x2: {  	s1 =	srdreg.scid;
	s0 =	stileid.u32  }
0x3: {  	s4 =	rddreg [dreg:$0x1];
	s10 =	simm.s32 $0x80;
	s11 =	simm.s32 $0x400  }
0x4: {  	s12 =	simm.s32 $0x0;
	s5 =	sand.u32 $0x1, s1;
	s2 =	sshll.u32 s0, $0x1  }
0x5: {  	s1 =	rddreg [dreg:$0x2];
	s7 =	sshrl.u32 s0, $0x2;
	s6 =	sor.u32 s5, s2  }
0x6: {  	s2 =	simm.s32 $0x0;
	s7 =	smul.u32 $0x13C00, s7;
	s5 =	ssub.s32 $0x2, s5  }
0x7: {  	s8 =	sshll.u32 s6, $0x7;
	[smem:$0x7FF] =	sst s2;
	s6 =	smul.u32 $0x4E2, s6  }
0x8: {  	s9 =	sshrl.u32 s5, $0x1;
	s8 =	sand.u32 $0x380, s8;
	_ =	strace $0x80000047  }
0x9: {  	s9 =	ssub.s32 s5, s9;
	s7 =	sor.u32 s7, s8;
	s31 =	sadd.s32 s6, s3  }
0xa: {  	s4 =	sadd.s32 s4, s6;
	s6 =	smax.u32 s9, $0x1;
	s7 =	sshrl.u32 s7, $0x3  }
0xb: {  	s8 =	simm.s32 $0x2780;
	s9 =	simm.s32 $0x4F00;
	s7 =	sadd.s32 s7, s3  }
0xc: {  	v0 =	vimm.f32 $0.0e+00;
	s3 =	sadd.s32 $0x2400, s31;
	s5 =	sadd.s32 $0xC200, s7;
	s7 =	simm.s32 $0x1  }
.LBB2_1:
0xd: {  	[tilespmem:s2], [sflag:$0x1] =	stream.linear.gather [hbm4b:s3+s2], $0x2710, $0x38;
	[tilespmem:$0x7680] =	vst v63  }
0xe: {  	_ =	swait.ge [sflag:s7], $0x2710  }
0xf: {  	[sflag:s7] =	ssyncset.done $0x0  }
0x10: {  	[sflag:s7] =	ssyncadd.s32 $0xFFFFD8F0  }
0x11: {  	[tilespmem:s8], [sflag:$0x1] =	stream.linear.gather [hbm4b:s4+s2], $0x2710, $0x38;
	[tilespmem:$0x7680] =	vst v63  }
0x12: {  	_ =	swait.ge [sflag:s7], $0x2710  }
0x13: {  	[sflag:s7] =	ssyncset.done $0x0  }
0x14: {  	s13 =	simm.s32 $0x4F40;
	[sflag:s7] =	ssyncadd.s32 $0xFFFFD8F0  }
0x15: {  	[tilespmem:s13+$0xFFFFFFC0] =	vst v0  }
0x16: {  	[tilespmem:s13+$0x30] =	vst v0  }
0x17: {  	[tilespmem:s13+$0x20] =	vst v0  }
0x18: {  	[tilespmem:s13+$0x10] =	vst v0  }
0x19: {  	[tilespmem:s13+$0x0] =	vst v0  }
0x1a: {  	[tilespmem:s13+$0xFFFFFFF0] =	vst v0  }
0x1b: {  	s14 =	simm.s32 $0x0;
	[tilespmem:s13+$0xFFFFFFE0] =	vst v0  }
.LBB2_2:
0x1c: {  	s14 =	sadd.s32 $0x80, s14;
	[tilespmem:s13+$0xFFFFFFD0] =	vst v0;
	s13 =	sadd.s32 $0x80, s13  }
0x1d: {  	[tilespmem:s13+$0xFFFFFFC0] =	vst v0;
	p0 =	slt.u32 s14, $0x2680  }
0x1e: {  	[tilespmem:s13+$0x30] =	vst v0  }
.Ltmp0:
0x1f: {  	[tilespmem:s13+$0x20] =	vst v0;
	(pc) =	sbr.rel @p0 .LBB2_2-.Ltmp0, $4  }
0x20: {  	[tilespmem:s13+$0x10] =	vst v0  }
0x21: {  	[tilespmem:s13+$0x0] =	vst v0  }
0x22: {  	[tilespmem:s13+$0xFFFFFFF0] =	vst v0  }
0x23: {  	[tilespmem:s13+$0xFFFFFFE0] =	vst v0  }
0x24: {  	[tilespmem:s13+$0xFFFFFFD0] =	vst v0  }
0x25: {  	s14 =	simm.s32 $0x40;
	[tilespmem:$0x7600] =	vst v0  }
0x26: {  	v1 =	vld [tilespmem:s14+$0x30]  }
0x27: {  	v2 =	vld [tilespmem:s14+$0xFFFFFFD0]  }
0x28: {  	s13 =	simm.s32 $0x27C0;
	v3 =	vld [tilespmem:s14+$0xFFFFFFE0]  }
0x29: {  	v4 =	vld [tilespmem:s13+$0x30]  }
0x2a: {  	v5 =	vld [tilespmem:s14+$0xFFFFFFF0]  }
0x2b: {  	v6 =	vld [tilespmem:s14+$0x0]  }
0x2c: {  	v7 =	vld [tilespmem:s14+$0x10]  }
0x2d: {  	v8 =	vld [tilespmem:s14+$0x20]  }
0x2e: {  	v63 =	vld [tilespmem:s13+$0xFFFFFFC0]  }
0x2f: {  	v9 =	vld [tilespmem:s13+$0xFFFFFFD0]  }
0x30: {  	v10 =	vld [tilespmem:s13+$0xFFFFFFE0]  }
0x31: {  	v11 =	vld [tilespmem:s13+$0xFFFFFFF0]  }
0x32: {  	v12 =	vld [tilespmem:s13+$0x0]  }
0x33: {  	v13 =	vld [tilespmem:s13+$0x10]  }
0x34: {  	[tilespmem:v1+s9+$0x0] =	vst.idx.add.f32.msk $0xffff, v4  }
0x35: {  	v1 =	vld [tilespmem:s14+$0xFFFFFFC0]  }
0x36: {  	v14 =	vld [tilespmem:s13+$0x20]  }
0x37: {  	[tilespmem:v2+s9+$0x0] =	vst.idx.add.f32.msk $0xffff, v9  }
0x38: {  	[tilespmem:v3+s9+$0x0] =	vst.idx.add.f32.msk $0xffff, v10  }
0x39: {  	[tilespmem:v5+s9+$0x0] =	vst.idx.add.f32.msk $0xffff, v11  }
0x3a: {  	[tilespmem:v6+s9+$0x0] =	vst.idx.add.f32.msk $0xffff, v12  }
0x3b: {  	[tilespmem:v7+s9+$0x0] =	vst.idx.add.f32.msk $0xffff, v13  }
0x3c: {  	[tilespmem:v8+s9+$0x0] =	vst.idx.add.f32.msk $0xffff, v14  }
0x3d: {  	s15 =	simm.s32 $0xC0;
	s14 =	simm.s32 $0x0;
	[tilespmem:v1+s9+$0x0] =	vst.idx.add.f32.msk $0xffff, v63  }
.LBB2_4:
0x3e: {  	v1 =	vld [tilespmem:s15+$0x30];
	s14 =	sadd.s32 $0x80, s14  }
0x3f: {  	v2 =	vld [tilespmem:s15+$0xFFFFFFD0];
	p0 =	slt.u32 s14, $0x2680  }
0x40: {  	s13 =	sadd.s32 $0x80, s13;
	v3 =	vld [tilespmem:s15+$0xFFFFFFE0]  }
0x41: {  	v4 =	vld [tilespmem:s13+$0x30]  }
0x42: {  	v5 =	vld [tilespmem:s15+$0xFFFFFFF0]  }
0x43: {  	v6 =	vld [tilespmem:s15+$0x0]  }
0x44: {  	v7 =	vld [tilespmem:s15+$0x10]  }
0x45: {  	v8 =	vld [tilespmem:s15+$0x20]  }
0x46: {  	[tilespmem:v1+s9+$0x0] =	vst.idx.add.f32.msk $0xffff, v4  }
0x47: {  	v1 =	vld [tilespmem:s15+$0xFFFFFFC0]  }
0x48: {  	v4 =	vld [tilespmem:s13+$0xFFFFFFC0]  }
0x49: {  	v9 =	vld [tilespmem:s13+$0xFFFFFFD0]  }
0x4a: {  	v10 =	vld [tilespmem:s13+$0xFFFFFFE0]  }
0x4b: {  	v11 =	vld [tilespmem:s13+$0xFFFFFFF0]  }
0x4c: {  	v12 =	vld [tilespmem:s13+$0x0]  }
0x4d: {  	v13 =	vld [tilespmem:s13+$0x10]  }
0x4e: {  	v14 =	vld [tilespmem:s13+$0x20]  }
0x4f: {  	[tilespmem:v1+s9+$0x0] =	vst.idx.add.f32.msk $0xffff, v4  }
0x50: {  	[tilespmem:v2+s9+$0x0] =	vst.idx.add.f32.msk $0xffff, v9  }
.Ltmp1:
0x51: {  	[tilespmem:v3+s9+$0x0] =	vst.idx.add.f32.msk $0xffff, v10;
	(pc) =	sbr.rel @p0 .LBB2_4-.Ltmp1, $4  }
0x52: {  	[tilespmem:v5+s9+$0x0] =	vst.idx.add.f32.msk $0xffff, v11  }
0x53: {  	[tilespmem:v6+s9+$0x0] =	vst.idx.add.f32.msk $0xffff, v12  }
0x54: {  	[tilespmem:v7+s9+$0x0] =	vst.idx.add.f32.msk $0xffff, v13  }
0x55: {  	s15 =	sadd.s32 $0x80, s15;
	[tilespmem:v8+s9+$0x0] =	vst.idx.add.f32.msk $0xffff, v14  }
0x56: {  	v1 =	vld [tilespmem:$0x2700];
	_ =	sdelay $0x2  }
0x57: {  	v2 =	vld [tilespmem:$0x4E80];
	_ =	sdelay $0x2  }
0x58: {  	s12 =	sadd.s32 $0x1, s12  }
0x59: {  	p0 =	sne.s32 s12, s6  }
.Ltmp2:
0x5a: {  	[tilespmem:v1+s9+$0x0] =	vst.idx.add.f32.msk $0xffff, v2;
	(pc) =	sbr.rel @p0 .LBB2_1-.Ltmp2, $4  }
0x5b: {  	[hbm4b:s5+s10] =	stream.strided.scatter [tilespmem:s9], [sflag:$0x1], $0x2780, s11, s10, $0x38;
	[tilespmem:$0x7680] =	vst v63  }
0x5c: {  	_ =	swait.ge [sflag:s7], $0x2780  }
0x5d: {  	[sflag:s7] =	ssyncset.done $0x0  }
0x5e: {  	[sflag:s7] =	ssyncadd.s32 $0xFFFFD880  }
0x5f: {  	_ =	sfence.sel $0x180000  }
0x60: {  	[bflag:$0x0] =	sbarrier.arrive $0xFFFF  }
0x61: {  	p0 =	sne.s32 s0, $0x0;
	_ =	strace $0x90000047  }
0x62: {  	s0 =	sadd.s32 @!p0 $0x100000, s1;
	[bflag:$0x2] =	sbarrier.arrive $0xFFFF  }
0x63: {  	[sflag:s0] =	ssyncadd.tile.s32 @!p0 $0x1;
	_ =	shalt  }
.Lfunc_end2:
_tile_overlayer_lowered:
.L_overlay_start_2:
0x64: {  	(tag) =	ssettag $0x2  }
0x65: {  	s0 =	rddreg [dreg:$0x0];
	s2 =	stileid.u32  }
0x66: {  	s1 =	rddreg [dreg:$0x1];
	p0 =	sne.s32 s2, $0x0  }
0x67: {  	s3 =	rddreg [dreg:$0x2];
	[bflag:$0x3] =	sbarrier.arrive $0xFFFF;
	s2 =	simm.s32 @!p0 $0x1C01  }
0x68: {  	[timem:s3], [sflag:s2] =	dma.local @!p0 [hbm:s0], s1  }
0x69: {  	s0 =	simm.s32 @!p0 $0x1  }
0x6a: {  	_ =	swait.ge @!p0 [sflag:s0], s1  }
0x6b: {  	s1 =	ssub.s32 @!p0 $0x0, s1;
	[sflag:s0] =	ssyncset.done @!p0 $0x0  }
0x6c: {  	[sflag:s0] =	ssyncadd.s32 @!p0 s1  }
0x6d: {  	[bflag:$0x3] =	sbarrier.arrive $0xFFFF  }
0x6e: {  	_ =	shalt  }

// kernel: kernel.9.cloned.1.call-start
scs
__scs_entry_jumppad:
0x0: {  	(pc) =	sbr.rel $0x88, $3  }
0x1: {  	(tag) =	ssettag $0x0;
	lr =	simm.s32 $0x1  }
0x2: {  	[smem:$0x3F8F] =	sst lr;
	_ =	strace $0xD0000000  }
0x3: {  	_ = 	snop  }
0x4: {  	_ = 	snop  }
0x5: {  	_ = 	snop  }
0x6: {  	_ = 	snop  }
0x7: {  	_ = 	snop  }
__scs_overlays_trampoline_lowered:
0x8: {  	[smem:$0x3F9E] =	sst s0  }
0x9: {  	[smem:$0x3F9F] =	sst s1  }
0xa: {  	[smem:$0x3FA0] =	sst s2  }
0xb: {  	[smem:$0x3FA1] =	sst s3  }
0xc: {  	[smem:$0x3FA2] =	sst s4  }
0xd: {  	[smem:$0x3FA3] =	sst s5  }
0xe: {  	[smem:$0x3FA4] =	sst s6  }
0xf: {  	[smem:$0x3FA5] =	sst s7  }
0x10: {  	[smem:$0x3FA6] =	sst s8  }
0x11: {  	[smem:$0x3FA7] =	sst s9;
	s0 =	simm.s32 @!p0 $0x0  }
0x12: {  	s1 =	sld [smem:$0x3F8D];
	s0 =	simm.s32 @p0 $0x1  }
0x13: {  	[smem:$0x3FA8] =	sst s0;
	s0 =	simm.s32 @!p1 $0x0  }
0x14: {  	s2 =	sld [smem:$0x3F8C];
	s0 =	simm.s32 @p1 $0x1  }
0x15: {  	[smem:$0x3FA9] =	sst s0;
	s0 =	simm.s32 @!p2 $0x0  }
0x16: {  	s3 =	sld [smem:$0x3FDB];
	s0 =	simm.s32 @p2 $0x1  }
0x17: {  	s4 =	simm.s32 $0x1BF5;
	[smem:$0x3FAB] =	sst s0  }
0x18: {  	s0 =	sld [smem:$0x3F8E];
	_ =	swait.ge [sflag:s4], $0x0  }
0x19: {  	s7 =	sld [smem:$0x3F8F]  }
0x1a: {  	s8 =	sadd.s32 $0xFFFFE003, lr  }
0x1b: {  	s9 =	sadd.s32 $0xFFFFFEF7, lr;
	s5 =	simm.s32 $0xFFFFFFFF;
	p2 =	slt.u32 s8, $0xFFFFF086  }
0x1c: {  	p1 =	slt.u32 s9, $0xF7A;
	s5 =	simm.s32 @!p2 $0x0  }
0x1d: {  	s5 =	simm.s32 @p1 $0x1;
	p0 =	seq.s32 s7, s2  }
0x1e: {  	s7 =	smul.u32 @!p0 $0xF7A, s2;
	p2 =	seq.s32 @!p0 s5, $0x0  }
0x1f: {  	s9 =	smul.u32 $0xF7A, s1;
	s8 =	simm.s32 @!p0 $0x1BF5;
	p2 =	por !p2, p0  }
0x20: {  	[sflag:s8] =	ssyncset.s32 @!p0 $0xFFFFF086;
	s6 =	sadd.s32 @!p0 s3, s7;
	s7 =	simm.s32 @!p0 $0x108  }
0x21: {  	s3 =	sadd.s32 s3, s9;
	s6 =	sadd.s32 @!p0 $0x88, s6;
	s7 =	simm.s32 @p2 $0x1082  }
0x22: {  	[simem:s7], [sflag:s8] =	dma.local @!p0 [hbm:s6], $0xF7A  }
0x23: {  	s9 =	sor.u32 $0xD0000000, s2;
	s6 =	simm.s32 $0x108;
	_ =	swait.ge @!p0 [sflag:s8], $0x0  }
0x24: {  	s3 =	sadd.s32 $0x88, s3;
	s6 =	simm.s32 @!p1 $0x1082;
	[sflag:s4] =	ssyncset.s32 $0xFFFFF086  }
0x25: {  	[simem:s6], [sflag:s4] =	dma.local [hbm:s3], $0xF7A  }
0x26: {  	[smem:$0x3F8F] =	sst s1;
	(tag) =	ssettag s2;
	_ =	strace s9  }
0x27: {  	s1 =	sld [smem:$0x3F9F]  }
0x28: {  	s2 =	sld [smem:$0x3FA0]  }
0x29: {  	s4 =	sld [smem:$0x3FA2]  }
0x2a: {  	p0 =	seq.s32 s5, $0x0;
	s5 =	sld [smem:$0x3FA3]  }
0x2b: {  	s6 =	sld [smem:$0x3FA4]  }
0x2c: {  	s7 =	sld [smem:$0x3FA5]  }
0x2d: {  	s3 =	simm.s32 $0x108;
	s8 =	sld [smem:$0x3FA6]  }
0x2e: {  	s3 =	simm.s32 @!p0 $0x1082;
	s9 =	sld [smem:$0x3FA7]  }
0x2f: {  	lr =	sadd.s32 s0, s3;
	s0 =	sld [smem:$0x3F9E]  }
0x30: {  	s3 =	sld [smem:$0x3FA1]  }
0x31: {  	[smem:$0x3FAA] =	sst s10  }
0x32: {  	s10 =	sld [smem:$0x3FA8];
	_ =	sdelay $0x3  }
0x33: {  	p0 =	seq.s32 s10, $0x1;
	s10 =	sld [smem:$0x3FAA];
	_ =	sdelay $0x3  }
0x34: {  	[smem:$0x3FAA] =	sst s10  }
0x35: {  	s10 =	sld [smem:$0x3FA9];
	_ =	sdelay $0x3  }
0x36: {  	p1 =	seq.s32 s10, $0x1;
	s10 =	sld [smem:$0x3FAA];
	_ =	sdelay $0x3  }
0x37: {  	[smem:$0x3FAA] =	sst s10  }
0x38: {  	s10 =	sld [smem:$0x3FAB]  }
0x39: {  	_ = 	snop;
	(pc) =	sbr.ind lr, $3  }
0x3a: {  	_ = 	snop  }
0x3b: {  	_ = 	snop  }
0x3c: {  	p2 =	seq.s32 s10, $0x1;
	s10 =	sld [smem:$0x3FAA]  }
0x3d: {  	_ =	shalt  }
0x3e: {  	_ =	shalt  }
0x3f: {  	_ =	shalt  }
0x40: {  	_ =	shalt  }
0x41: {  	_ =	shalt  }
0x42: {  	_ =	shalt  }
0x43: {  	_ =	shalt  }
0x44: {  	_ =	shalt  }
0x45: {  	_ =	shalt  }
0x46: {  	_ =	shalt  }
0x47: {  	_ =	shalt  }
0x48: {  	_ =	shalt  }
0x49: {  	_ =	shalt  }
0x4a: {  	_ =	shalt  }
0x4b: {  	_ =	shalt  }
0x4c: {  	_ =	shalt  }
0x4d: {  	_ =	shalt  }
0x4e: {  	_ =	shalt  }
0x4f: {  	_ =	shalt  }
0x50: {  	_ =	shalt  }
0x51: {  	_ =	shalt  }
0x52: {  	_ =	shalt  }
0x53: {  	_ =	shalt  }
0x54: {  	_ =	shalt  }
0x55: {  	_ =	shalt  }
0x56: {  	_ =	shalt  }
0x57: {  	_ =	shalt  }
0x58: {  	_ =	shalt  }
0x59: {  	_ =	shalt  }
0x5a: {  	_ =	shalt  }
0x5b: {  	_ =	shalt  }
0x5c: {  	_ =	shalt  }
0x5d: {  	_ =	shalt  }
0x5e: {  	_ =	shalt  }
0x5f: {  	_ =	shalt  }
0x60: {  	_ =	shalt  }
0x61: {  	_ =	shalt  }
0x62: {  	_ =	shalt  }
0x63: {  	_ =	shalt  }
0x64: {  	_ =	shalt  }
0x65: {  	_ =	shalt  }
0x66: {  	_ =	shalt  }
0x67: {  	_ =	shalt  }
0x68: {  	_ =	shalt  }
0x69: {  	_ =	shalt  }
0x6a: {  	_ =	shalt  }
0x6b: {  	_ =	shalt  }
0x6c: {  	_ =	shalt  }
0x6d: {  	_ =	shalt  }
0x6e: {  	_ =	shalt  }
0x6f: {  	_ =	shalt  }
0x70: {  	_ =	shalt  }
0x71: {  	_ =	shalt  }
0x72: {  	_ =	shalt  }
0x73: {  	_ =	shalt  }
0x74: {  	_ =	shalt  }
0x75: {  	_ =	shalt  }
0x76: {  	_ =	shalt  }
0x77: {  	_ =	shalt  }
0x78: {  	_ =	shalt  }
0x79: {  	_ =	shalt  }
0x7a: {  	_ =	shalt  }
0x7b: {  	_ =	shalt  }
0x7c: {  	_ =	shalt  }
0x7d: {  	_ =	shalt  }
0x7e: {  	_ =	shalt  }
0x7f: {  	_ =	shalt  }
0x80: {  	_ =	shalt  }
0x81: {  	_ =	shalt  }
0x82: {  	_ =	shalt  }
0x83: {  	_ =	shalt  }
0x84: {  	_ =	shalt  }
0x85: {  	_ =	shalt  }
0x86: {  	_ =	shalt  }
0x87: {  	_ =	shalt  }
.Lfunc_end0:
.L_simem_size_0:
called_computation.1_lowered:
.L_overlay_start_0:
0x88: {  	s2 =	sld [smem:$0x3FD9]  }
0x89: {  	s3 =	sld [smem:$0x3FFE];
	_ =	sdelay $0x1  }
0x8a: {  	s1 =	srdreg.scid  }
0x8b: {  	s0 =	sand.u32 $0x1, s1  }
0x8c: {  	s17 =	sshll.u32 s0, $0xA;
	s2 =	sadd.s32 s3, s2  }
0x8d: {  	s2 =	sadd.s32 s2, s17  }
0x8e: {  	[smem:$0x3FB6] =	sst s2  }
0x8f: {  	_ = 	snop  }
0x90: {  	s2 =	sld [smem:$0x3FC7];
	(tm) =	ssettm $0x1  }
0x91: {  	s18 =	sld [smem:$0x3FFB];
	_ =	sdelay $0x3  }
0x92: {  	_ =	strace s18  }
0x93: {  	s3 =	sld [smem:$0x3FFC];
	_ =	sdelay $0x3  }
0x94: {  	_ =	strace s3  }
0x95: {  	s3 =	sld [smem:$0x3FFD];
	_ =	sdelay $0x3  }
0x96: {  	_ =	strace s3  }
0x97: {  	_ =	strace $0x8FFFFFFF  }
0x98: {  	s19 =	sld [smem:$0x3FDB];
	_ =	sdelay $0x1  }
0x99: {  	s4 =	simm.s32 $_scs_section_size  }
0x9a: {  	s5 =	simm.s32 $_size__tile_overlayer_lowered;
	s6 =	simm.s32 $_tile_overlayer_lowered  }
0x9b: {  	s22 =	simm.s32 $0x1BFF;
	s21 =	sshll.u32 s6, $0x1;
	s3 =	sadd.s32 s4, s19  }
0x9c: {  	s7 =	simm.s32 $0x0;
	s20 =	sshll.u32 s5, $0x1;
	s5 =	sadd.s32 s21, s3  }
0x9d: {  	[timem:s7], [sflag:s22] =	dma.local [hbm:s5], s20  }
0x9e: {  	_ =	swait.ge [sflag:s22], s20  }
0x9f: {  	s4 =	ssub.s32 $0x0, s20;
	[sflag:s22] =	ssyncset.done $0x0  }
0xa0: {  	[sflag:s22] =	ssyncadd.s32 s4;
	_ =	sdelay $0x1  }
0xa1: {  	s23 =	simm.s32 $0x1B8B  }
0xa2: {  	_ =	swait.ge [sflag:s23], $0x1  }
0xa3: {  	[sflag:s23] =	ssyncset.done $0x0  }
0xa4: {  	s25 =	simm.s32 $0x1B8E;
	s24 =	sld [smem:$0x3FFE];
	[sflag:s23] =	ssyncadd.s32 $0xFFFFFFFF  }
0xa5: {  	s26 =	simm.s32 $execute0_lowered;
	[smem:$0x3FD2] =	sst s25  }
0xa6: {  	s5 =	sshll.u32 s26, $0x1;
	_ =	strace $0x80000049;
	[dreg:$0x1] =	wrdreg $0xFFFFFFFF  }
0xa7: {  	s28 =	simm.s32 $_size_execute0_lowered;
	s3 =	sadd.s32 s3, s5;
	[dreg:$0x0] =	wrdreg $0x0  }
0xa8: {  	s5 =	sshll.u32 s28, $0x1;
	[dreg:$0x2] =	wrdreg s3  }
0xa9: {  	[dreg:$0x3] =	wrdreg s5  }
0xaa: {  	[dreg:$0x4] =	wrdreg $0xC0  }
0xab: {  	_ =	task [dreg:s7], $0x5FFFF  }
0xac: {  	[dreg:$0x1] =	wrdreg $0xFFFFFFFF  }
0xad: {  	[dreg:$0x0] =	wrdreg $0x60  }
0xae: {  	[dreg:$0x2] =	wrdreg s24  }
0xaf: {  	[dreg:$0x3] =	wrdreg s2  }
0xb0: {  	[dreg:$0x4] =	wrdreg $0x9  }
0xb1: {  	_ =	task.clear_ibuf [dreg:s7], $0x5FFFF;
	_ =	strace $0x90000049  }
0xb2: {  	s29 =	simm.s32 $0x9;
	_ =	strace $0x8000004B  }
0xb3: {  	_ =	swait.ge [sflag:s29], $0x1  }
0xb4: {  	[sflag:s29] =	ssyncadd.s32 $0xFFFFFFFF  }
0xb5: {  	_ =	strace $0x9000004B  }
0xb6: {  	_ =	sfence  }
0xb7: {  	s30 =	sld [smem:$0x0];
	_ =	sdelay $0x2  }
0xb8: {  	s31 =	sshll.u32 s1, $0xD;
	s1 =	sshrl.u32 s1, $0x2  }
0xb9: {  	s3 =	sand.u32 $0x4000, s31;
	s1 =	sadd.s32 s1, s30  }
0xba: {  	s0 =	sor.u32 s3, s0;
	s1 =	sshll.u32 s1, $0x11  }
0xbb: {  	s0 =	sor.u32 s1, s0  }
0xbc: {  	s0 =	sadd.s32 $0x8F2B, s0  }
0xbd: {  	[sflag:s0] =	ssyncadd.remote.s32 $0x1  }
0xbe: {  	_ =	sfence.sel $0xFFFF  }
0xbf: {  	[dreg:$0x0] =	wrdreg $0xFFFFFFFF;
	(pc) =	sbr.abs _section_cstart, $3  }
0xc0: {  	[dreg:$0x1] =	wrdreg $0xFFFFFFFF  }
0xc1: {  	_ =	task.clear_ibuf [dreg:s7], $0x2FFFF;
	_ =	strace $0x9FFFFFFF  }
0xc2: {  	(tm) =	ssettm $0x7FFFFFFF  }
0xc3: {  	_ =	shalt  }
tec
execute0_lowered:
.L_overlay_start_1:
0x0: {  	(tag) =	ssettag $0x1  }
0x1: {  	s1 =	stileid.u32  }
0x2: {  	p0 =	sgt.u32 s1, $0xB  }
.Ltmp0:
0x3: {  	_ = 	snop;
	(pc) =	sbr.rel @p0 .LBB2_15-.Ltmp0, $4  }
0x4: {  	s5 =	rddreg [dreg:$0x0]  }
0x5: {  	s2 =	rddreg [dreg:$0x1];
	s3 =	simm.s32 $0x0  }
0x6: {  	[smem:$0x7FF] =	sst s3  }
0x7: {  	s0 =	rddreg [dreg:$0x2];
	_ =	strace $0x8000004A  }
0x8: {  	s4 =	srdreg.scid  }
0x9: {  	s7 =	sadd.s32 $0x2400, s5;
	s8 =	smul.u32 $0x4F00, s1;
	s10 =	sshrl.u32 s1, $0x3  }
0xa: {  	s30 =	sshll.u32 s1, $0x7;
	s13 =	simm.s32 $0xB500;
	s14 =	simm.s32 $0x2780  }
0xb: {  	s15 =	simm.s32 $0x4F00;
	s16 =	simm.s32 $0x100;
	s17 =	simm.s32 $0x0  }
0xc: {  	s6 =	sand.u32 $0x1, s4;
	s4 =	sadd.s32 $0x16000, s5;
	s29 =	smul.u32 $0x13C00, s10  }
0xd: {  	s10 =	sand.u32 $0x380, s30;
	s9 =	sshll.u32 s6, $0x7;
	s11 =	ssub.s32 $0x2, s6  }
0xe: {  	s8 =	sor.u32 s9, s8;
	s12 =	sshrl.u32 s11, $0x1;
	s9 =	sor.u32 s10, s29  }
0xf: {  	s10 =	simm.s32 $0x400;
	s8 =	sshrl.u32 s8, $0x3;
	s31 =	ssub.s32 s11, s12  }
0x10: {  	s9 =	sshrl.u32 s9, $0x3;
	s11 =	simm.s32 $0x1;
	s12 =	simm.s32 $0x7680  }
0x11: {  	s8 =	sadd.s32 s8, s5;
	s5 =	smul.u32 $0x27100, s6;
	s7 =	sadd.s32 s7, s9  }
0x12: {  	v0 =	vimm.f32 $0.0e+00;
	s9 =	simm.s32 $0x80;
	s6 =	sadd.s32 $0x7400, s8;
	s8 =	smax.u32 s31, $0x1  }
.LBB2_2:
0x13: {  	[tilespmem:s3], [sflag:$0x1] =	stream.strided.gather [hbm4b:s7+s9], $0x2780, s10, s9, $0x38;
	[tilespmem:$0xF380] =	vst v63  }
0x14: {  	_ =	swait.ge [sflag:s11], $0x2780  }
0x15: {  	[sflag:s11] =	ssyncset.done $0x0  }
0x16: {  	s18 =	simm.s32 $0x27C0;
	[sflag:s11] =	ssyncadd.s32 $0xFFFFD880  }
0x17: {  	[tilespmem:s18+$0xFFFFFFC0] =	vst v0  }
0x18: {  	[tilespmem:s18+$0x30] =	vst v0  }
0x19: {  	[tilespmem:s18+$0x20] =	vst v0  }
0x1a: {  	[tilespmem:s18+$0x10] =	vst v0  }
0x1b: {  	[tilespmem:s18+$0x0] =	vst v0  }
0x1c: {  	[tilespmem:s18+$0xFFFFFFF0] =	vst v0  }
0x1d: {  	s19 =	simm.s32 $0x0;
	[tilespmem:s18+$0xFFFFFFE0] =	vst v0  }
.LBB2_3:
0x1e: {  	s19 =	sadd.s32 $0x80, s19;
	[tilespmem:s18+$0xFFFFFFD0] =	vst v0;
	s18 =	sadd.s32 $0x80, s18  }
0x1f: {  	[tilespmem:s18+$0xFFFFFFC0] =	vst v0;
	p0 =	slt.u32 s19, $0x2680  }
0x20: {  	[tilespmem:s18+$0x30] =	vst v0  }
.Ltmp1:
0x21: {  	[tilespmem:s18+$0x20] =	vst v0;
	(pc) =	sbr.rel @p0 .LBB2_3-.Ltmp1, $4  }
0x22: {  	[tilespmem:s18+$0x10] =	vst v0  }
0x23: {  	[tilespmem:s18+$0x0] =	vst v0  }
0x24: {  	[tilespmem:s18+$0xFFFFFFF0] =	vst v0  }
0x25: {  	[tilespmem:s18+$0xFFFFFFE0] =	vst v0  }
0x26: {  	[tilespmem:s18+$0xFFFFFFD0] =	vst v0  }
0x27: {  	s18 =	simm.s32 $0x4F40;
	[tilespmem:$0x4E80] =	vst v0  }
0x28: {  	[tilespmem:s18+$0xFFFFFFC0] =	vst v0  }
0x29: {  	[tilespmem:s18+$0x30] =	vst v0  }
0x2a: {  	[tilespmem:s18+$0x20] =	vst v0  }
0x2b: {  	[tilespmem:s18+$0x10] =	vst v0  }
0x2c: {  	[tilespmem:s18+$0x0] =	vst v0  }
0x2d: {  	[tilespmem:s18+$0xFFFFFFF0] =	vst v0  }
0x2e: {  	s19 =	simm.s32 $0x0;
	[tilespmem:s18+$0xFFFFFFE0] =	vst v0  }
.LBB2_5:
0x2f: {  	s19 =	sadd.s32 $0x80, s19;
	[tilespmem:s18+$0xFFFFFFD0] =	vst v0;
	s18 =	sadd.s32 $0x80, s18  }
0x30: {  	[tilespmem:s18+$0xFFFFFFC0] =	vst v0;
	p0 =	slt.u32 s19, $0x2680  }
0x31: {  	[tilespmem:s18+$0x30] =	vst v0  }
.Ltmp2:
0x32: {  	[tilespmem:s18+$0x20] =	vst v0;
	(pc) =	sbr.rel @p0 .LBB2_5-.Ltmp2, $4  }
0x33: {  	[tilespmem:s18+$0x10] =	vst v0  }
0x34: {  	[tilespmem:s18+$0x0] =	vst v0  }
0x35: {  	[tilespmem:s18+$0xFFFFFFF0] =	vst v0  }
0x36: {  	[tilespmem:s18+$0xFFFFFFE0] =	vst v0  }
0x37: {  	[tilespmem:s18+$0xFFFFFFD0] =	vst v0  }
0x38: {  	s18 =	simm.s32 $0x0;
	[tilespmem:$0x7600] =	vst v0  }
.LBB2_7:
0x39: {  	s19 =	smul.u32 $0x3E80, s18;
	_ =	sdelay $0x1  }
0x3a: {  	s19 =	sadd.s32 s5, s19  }
0x3b: {  	s19 =	sshrl.u32 s19, $0x3  }
0x3c: {  	s20 =	sadd.s32 s4, s19  }
0x3d: {  	[tilespmem:s12], [sflag:$0x1] =	stream.linear.gather [hbm4b:s20+s3], $0x3E80, $0x38;
	[tilespmem:$0xF380] =	vst v63  }
0x3e: {  	_ =	swait.ge [sflag:s11], $0x3E80  }
0x3f: {  	[sflag:s11] =	ssyncset.done $0x0  }
0x40: {  	s19 =	sadd.s32 s2, s19;
	[sflag:s11] =	ssyncadd.s32 $0xFFFFC180  }
0x41: {  	[tilespmem:s13], [sflag:$0x1] =	stream.linear.gather [hbm4b:s19+s3], $0x3E80, $0x38;
	[tilespmem:$0xF380] =	vst v63  }
0x42: {  	_ =	swait.ge [sflag:s11], $0x3E80  }
0x43: {  	[sflag:s11] =	ssyncset.done $0x0  }
0x44: {  	s31 =	simm.s32 $0x7700;
	[sflag:s11] =	ssyncadd.s32 $0xFFFFC180  }
0x45: {  	v1 =	vld [tilespmem:s31+$0x60]  }
0x46: {  	v2 =	vld [tilespmem:s31+$0xFFFFFFA0]  }
0x47: {  	v3 =	vld [tilespmem:s31+$0xFFFFFFC0]  }
0x48: {  	v4 =	vld [tilespmem:s31+$0xFFFFFFE0]  }
0x49: {  	v5 =	vld [tilespmem:s31+$0x0]  }
0x4a: {  	v7 =	vld [tilespmem:s31+$0x20]  }
0x4b: {  	v9 =	vld [tilespmem:s31+$0xFFFFFF80]  }
0x4c: {  	s19 =	simm.s32 $0xB580;
	v11 =	vld [tilespmem:s31+$0x40]  }
0x4d: {  	v15 =	vld [tilespmem:s19+$0x60]  }
0x4e: {  	v46 =	vld [tilespmem:s19+$0xFFFFFFA0];
	v6 =	vshrl.u32 v1, $0xE  }
0x4f: {  	v18 =	vld [tilespmem:s19+$0xFFFFFFC0];
	v8 =	vshrl.u32 v2, $0xE  }
0x50: {  	v19 =	vld [tilespmem:s19+$0xFFFFFFE0];
	v10 =	vshrl.u32 v3, $0xE  }
0x51: {  	v21 =	vld [tilespmem:s19+$0x0];
	v12 =	vshrl.u32 v4, $0xE  }
0x52: {  	v47 =	vld [tilespmem:s19+$0x20];
	v13 =	vshrl.u32 v5, $0xE  }
0x53: {  	v14 =	vshrl.u32 v7, $0xE;
	v6 =	vld.idx.msk [tilespmem:v6+s3+$0x0], $0xffff  }
0x54: {  	v16 =	vshrl.u32 v9, $0xE;
	v8 =	vld.idx.msk [tilespmem:v8+s3+$0x0], $0xffff  }
0x55: {  	v17 =	vshrl.u32 v11, $0xE;
	v10 =	vld.idx.msk [tilespmem:v10+s3+$0x0], $0xffff  }
0x56: {  	v1 =	vand.u32 $0x3FFF, v1;
	v12 =	vld.idx.msk [tilespmem:v12+s3+$0x0], $0xffff  }
0x57: {  	v13 =	vld.idx.msk [tilespmem:v13+s3+$0x0], $0xffff  }
0x58: {  	v14 =	vld.idx.msk [tilespmem:v14+s3+$0x0], $0xffff  }
0x59: {  	v2 =	vand.u32 $0x3FFF, v2;
	v44 =	vld.idx.msk [tilespmem:v16+s3+$0x0], $0xffff;
	v6 =	vmul.f32 v15, v6  }
0x5a: {  	v3 =	vand.u32 $0x3FFF, v3;
	v45 =	vld.idx.msk [tilespmem:v17+s3+$0x0], $0xffff  }
0x5b: {  	v4 =	vand.u32 $0x3FFF, v4;
	[tilespmem:v1+s14+$0x0] =	vst.idx.add.f32.msk $0xffff, v6  }
0x5c: {  	v8 =	vmul.f32 v46, v8;
	v1 =	vld [tilespmem:s31+$0x70]  }
0x5d: {  	v10 =	vmul.f32 v18, v10;
	v6 =	vld [tilespmem:s19+$0xFFFFFF80]  }
0x5e: {  	v12 =	vmul.f32 v19, v12;
	[tilespmem:v2+s14+$0x0] =	vst.idx.add.f32.msk $0xffff, v8  }
0x5f: {  	v9 =	vand.u32 $0x3FFF, v9;
	[tilespmem:v3+s14+$0x0] =	vst.idx.add.f32.msk $0xffff, v10  }
0x60: {  	[tilespmem:v4+s14+$0x0] =	vst.idx.add.f32.msk $0xffff, v12  }
0x61: {  	v49 =	vld [tilespmem:s19+$0x70];
	v20 =	vshrl.u32 v1, $0xE  }
0x62: {  	v54 =	vld [tilespmem:s19+$0xFFFFFFB0];
	v6 =	vmul.f32 v6, v44  }
0x63: {  	v5 =	vand.u32 $0x3FFF, v5;
	v56 =	vld [tilespmem:s19+$0xFFFFFFD0]  }
0x64: {  	v7 =	vand.u32 $0x3FFF, v7;
	[tilespmem:v9+s14+$0x0] =	vst.idx.add.f32.msk $0xffff, v6  }
0x65: {  	v6 =	vld [tilespmem:s19+$0x40]  }
0x66: {  	v2 =	vmul.f32 v21, v13;
	v48 =	vld.idx.msk [tilespmem:v20+s3+$0x0], $0xffff  }
0x67: {  	v11 =	vand.u32 $0x3FFF, v11;
	v3 =	vmul.f32 v47, v14;
	v60 =	vld [tilespmem:s19+$0xFFFFFFF0]  }
0x68: {  	[tilespmem:v5+s14+$0x0] =	vst.idx.add.f32.msk $0xffff, v2;
	v1 =	vand.u32 $0x3FFF, v1  }
0x69: {  	[tilespmem:v7+s14+$0x0] =	vst.idx.add.f32.msk $0xffff, v3  }
0x6a: {  	v3 =	vld [tilespmem:s31+$0xFFFFFFD0];
	v4 =	vmul.f32 v6, v45  }
0x6b: {  	v5 =	vld [tilespmem:s31+$0x10];
	v2 =	vmul.f32 v49, v48  }
0x6c: {  	[tilespmem:v11+s14+$0x0] =	vst.idx.add.f32.msk $0xffff, v4  }
0x6d: {  	[tilespmem:v1+s15+$0x0] =	vst.idx.add.f32.msk $0xffff, v2  }
0x6e: {  	v2 =	vld [tilespmem:s31+$0xFFFFFFB0]  }
0x6f: {  	v1 =	vld [tilespmem:s31+$0xFFFFFF90]  }
0x70: {  	v4 =	vld [tilespmem:s31+$0xFFFFFFF0]  }
0x71: {  	v7 =	vld [tilespmem:s31+$0x30];
	v57 =	vshrl.u32 v5, $0xE  }
0x72: {  	v61 =	vld [tilespmem:s19+$0x10];
	v53 =	vshrl.u32 v3, $0xE  }
0x73: {  	v51 =	vld [tilespmem:s31+$0x50];
	v50 =	vshrl.u32 v2, $0xE  }
0x74: {  	v62 =	vld [tilespmem:s19+$0x30];
	v6 =	vshrl.u32 v1, $0xE  }
0x75: {  	v52 =	vld [tilespmem:s19+$0xFFFFFF90];
	v55 =	vshrl.u32 v4, $0xE  }
0x76: {  	v58 =	vshrl.u32 v7, $0xE;
	v15 =	vld.idx.msk [tilespmem:v57+s3+$0x0], $0xffff  }
0x77: {  	v11 =	vld.idx.msk [tilespmem:v53+s3+$0x0], $0xffff  }
0x78: {  	v59 =	vshrl.u32 v51, $0xE;
	v8 =	vld.idx.msk [tilespmem:v50+s3+$0x0], $0xffff  }
0x79: {  	v3 =	vand.u32 $0x3FFF, v3;
	v6 =	vld.idx.msk [tilespmem:v6+s3+$0x0], $0xffff  }
0x7a: {  	v2 =	vand.u32 $0x3FFF, v2;
	v13 =	vld.idx.msk [tilespmem:v55+s3+$0x0], $0xffff  }
0x7b: {  	v16 =	vld.idx.msk [tilespmem:v58+s3+$0x0], $0xffff;
	v1 =	vand.u32 $0x3FFF, v1  }
0x7c: {  	v63 =	vld [tilespmem:s19+$0x50];
	v4 =	vand.u32 $0x3FFF, v4;
	v11 =	vmul.f32 v56, v11  }
0x7d: {  	v5 =	vand.u32 $0x3FFF, v5;
	v17 =	vld.idx.msk [tilespmem:v59+s3+$0x0], $0xffff;
	v8 =	vmul.f32 v54, v8  }
0x7e: {  	[tilespmem:v3+s15+$0x0] =	vst.idx.add.f32.msk $0xffff, v11;
	v6 =	vmul.f32 v52, v6  }
0x7f: {  	[tilespmem:v2+s15+$0x0] =	vst.idx.add.f32.msk $0xffff, v8;
	v2 =	vmul.f32 v60, v13  }
0x80: {  	[tilespmem:v1+s15+$0x0] =	vst.idx.add.f32.msk $0xffff, v6;
	v6 =	vmul.f32 v61, v15  }
0x81: {  	s23 =	simm.s32 $0x0;
	s21 =	simm.s32 $0xF310;
	v3 =	vmul.f32 v62, v16;
	[tilespmem:v4+s15+$0x0] =	vst.idx.add.f32.msk $0xffff, v2  }
0x82: {  	s22 =	simm.s32 $0xB490;
	s24 =	simm.s32 $0x7800;
	s20 =	simm.s32 $0x3DE0;
	v1 =	vand.u32 $0x3FFF, v7;
	v2 =	vand.u32 $0x3FFF, v51;
	[tilespmem:v5+s15+$0x0] =	vst.idx.add.f32.msk $0xffff, v6;
	v4 =	vmul.f32 v63, v17  }
.LBB2_8:
0x83: {  	v5 =	vld [tilespmem:s24+$0x60];
	s23 =	sadd.s32 $0x100, s23  }
0x84: {  	v6 =	vld [tilespmem:s24+$0xFFFFFFA0];
	p0 =	slt.u32 s23, $0x3D00  }
0x85: {  	v7 =	vld [tilespmem:s24+$0xFFFFFFC0]  }
0x86: {  	v8 =	vld [tilespmem:s24+$0xFFFFFFE0]  }
0x87: {  	v9 =	vld [tilespmem:s24+$0x0]  }
0x88: {  	v10 =	vld [tilespmem:s24+$0x20];
	v11 =	vshrl.u32 v5, $0xE  }
0x89: {  	v12 =	vshrl.u32 v6, $0xE;
	v6 =	vand.u32 $0x3FFF, v6;
	v13 =	vld [tilespmem:s24+$0x40]  }
0x8a: {  	v14 =	vld [tilespmem:s24+$0xFFFFFF80];
	v15 =	vshrl.u32 v7, $0xE;
	v7 =	vand.u32 $0x3FFF, v7  }
0x8b: {  	v16 =	vshrl.u32 v8, $0xE;
	v8 =	vand.u32 $0x3FFF, v8;
	[tilespmem:v1+s15+$0x0] =	vst.idx.add.f32.msk $0xffff, v3  }
0x8c: {  	v1 =	vshrl.u32 v9, $0xE;
	v3 =	vand.u32 $0x3FFF, v9;
	[tilespmem:v2+s15+$0x0] =	vst.idx.add.f32.msk $0xffff, v4  }
0x8d: {  	s19 =	sadd.s32 $0x100, s19;
	v2 =	vshrl.u32 v10, $0xE;
	v4 =	vand.u32 $0x3FFF, v10;
	v9 =	vld.idx.msk [tilespmem:v11+s3+$0x0], $0xffff  }
0x8e: {  	v10 =	vshrl.u32 v13, $0xE;
	v11 =	vand.u32 $0x3FFF, v13;
	v13 =	vld [tilespmem:s19+$0x60]  }
0x8f: {  	v17 =	vshrl.u32 v14, $0xE;
	v14 =	vand.u32 $0x3FFF, v14;
	v12 =	vld.idx.msk [tilespmem:v12+s3+$0x0], $0xffff  }
0x90: {  	v5 =	vand.u32 $0x3FFF, v5;
	v15 =	vld.idx.msk [tilespmem:v15+s3+$0x0], $0xffff  }
0x91: {  	v16 =	vld.idx.msk [tilespmem:v16+s3+$0x0], $0xffff  }
0x92: {  	v1 =	vld.idx.msk [tilespmem:v1+s3+$0x0], $0xffff  }
0x93: {  	v2 =	vld.idx.msk [tilespmem:v2+s3+$0x0], $0xffff;
	v9 =	vmul.f32 v13, v9  }
0x94: {  	v13 =	vld.idx.msk [tilespmem:v17+s3+$0x0], $0xffff  }
0x95: {  	[tilespmem:v5+s14+$0x0] =	vst.idx.add.f32.msk $0xffff, v9  }
0x96: {  	v5 =	vld [tilespmem:s24+$0x70]  }
0x97: {  	v9 =	vld.idx.msk [tilespmem:v10+s3+$0x0], $0xffff  }
0x98: {  	v10 =	vld [tilespmem:s19+$0xFFFFFF80]  }
0x99: {  	v17 =	vld [tilespmem:s19+$0xFFFFFFA0]  }
0x9a: {  	v18 =	vld [tilespmem:s19+$0xFFFFFFC0]  }
0x9b: {  	v19 =	vld [tilespmem:s19+$0xFFFFFFE0];
	v20 =	vshrl.u32 v5, $0xE  }
0x9c: {  	v21 =	vld [tilespmem:s19+$0x0]  }
0x9d: {  	v10 =	vmul.f32 v10, v13;
	v13 =	vld [tilespmem:s19+$0x20]  }
0x9e: {  	v12 =	vmul.f32 v17, v12;
	v17 =	vld [tilespmem:s19+$0x40]  }
0x9f: {  	[tilespmem:v14+s14+$0x0] =	vst.idx.add.f32.msk $0xffff, v10;
	v10 =	vmul.f32 v18, v15  }
0xa0: {  	v14 =	vmul.f32 v19, v16;
	v15 =	vld.idx.msk [tilespmem:v20+s3+$0x0], $0xffff  }
0xa1: {  	v1 =	vmul.f32 v21, v1;
	v16 =	vld [tilespmem:s19+$0x70]  }
0xa2: {  	[tilespmem:v6+s14+$0x0] =	vst.idx.add.f32.msk $0xffff, v12;
	v2 =	vmul.f32 v13, v2  }
0xa3: {  	v5 =	vand.u32 $0x3FFF, v5;
	[tilespmem:v7+s14+$0x0] =	vst.idx.add.f32.msk $0xffff, v10;
	v6 =	vmul.f32 v17, v9  }
0xa4: {  	[tilespmem:v8+s14+$0x0] =	vst.idx.add.f32.msk $0xffff, v14  }
0xa5: {  	[tilespmem:v3+s14+$0x0] =	vst.idx.add.f32.msk $0xffff, v1  }
0xa6: {  	[tilespmem:v4+s14+$0x0] =	vst.idx.add.f32.msk $0xffff, v2;
	v1 =	vmul.f32 v16, v15  }
0xa7: {  	[tilespmem:v11+s14+$0x0] =	vst.idx.add.f32.msk $0xffff, v6  }
0xa8: {  	[tilespmem:v5+s15+$0x0] =	vst.idx.add.f32.msk $0xffff, v1  }
0xa9: {  	v1 =	vld [tilespmem:s24+$0xFFFFFF90]  }
0xaa: {  	v2 =	vld [tilespmem:s24+$0xFFFFFFB0]  }
0xab: {  	v3 =	vld [tilespmem:s24+$0xFFFFFFD0]  }
0xac: {  	v4 =	vld [tilespmem:s24+$0xFFFFFFF0]  }
0xad: {  	v5 =	vld [tilespmem:s24+$0x10]  }
0xae: {  	v6 =	vshrl.u32 v1, $0xE;
	v7 =	vand.u32 $0x3FFF, v1;
	v1 =	vld [tilespmem:s24+$0x30]  }
0xaf: {  	v8 =	vshrl.u32 v2, $0xE;
	v9 =	vand.u32 $0x3FFF, v2;
	v2 =	vld [tilespmem:s24+$0x50]  }
0xb0: {  	v10 =	vld [tilespmem:s19+$0xFFFFFF90];
	v11 =	vshrl.u32 v3, $0xE;
	v3 =	vand.u32 $0x3FFF, v3  }
0xb1: {  	v12 =	vld [tilespmem:s19+$0xFFFFFFB0];
	v13 =	vshrl.u32 v4, $0xE;
	v4 =	vand.u32 $0x3FFF, v4  }
0xb2: {  	v14 =	vld [tilespmem:s19+$0xFFFFFFD0];
	v15 =	vshrl.u32 v5, $0xE;
	v5 =	vand.u32 $0x3FFF, v5  }
0xb3: {  	v6 =	vld.idx.msk [tilespmem:v6+s3+$0x0], $0xffff;
	v16 =	vshrl.u32 v1, $0xE;
	v1 =	vand.u32 $0x3FFF, v1  }
0xb4: {  	v8 =	vld.idx.msk [tilespmem:v8+s3+$0x0], $0xffff;
	v17 =	vshrl.u32 v2, $0xE;
	v2 =	vand.u32 $0x3FFF, v2  }
0xb5: {  	v11 =	vld.idx.msk [tilespmem:v11+s3+$0x0], $0xffff  }
0xb6: {  	v13 =	vld.idx.msk [tilespmem:v13+s3+$0x0], $0xffff  }
0xb7: {  	v15 =	vld.idx.msk [tilespmem:v15+s3+$0x0], $0xffff  }
0xb8: {  	v16 =	vld.idx.msk [tilespmem:v16+s3+$0x0], $0xffff  }
0xb9: {  	v6 =	vmul.f32 v10, v6;
	v10 =	vld.idx.msk [tilespmem:v17+s3+$0x0], $0xffff  }
0xba: {  	v8 =	vmul.f32 v12, v8;
	v12 =	vld [tilespmem:s19+$0xFFFFFFF0]  }
0xbb: {  	v11 =	vmul.f32 v14, v11;
	v14 =	vld [tilespmem:s19+$0x10]  }
0xbc: {  	v17 =	vld [tilespmem:s19+$0x30]  }
0xbd: {  	v18 =	vld [tilespmem:s19+$0x50]  }
.Ltmp3:
0xbe: {  	[tilespmem:v7+s15+$0x0] =	vst.idx.add.f32.msk $0xffff, v6;
	(pc) =	sbr.rel @p0 .LBB2_8-.Ltmp3, $4  }
0xbf: {  	[tilespmem:v9+s15+$0x0] =	vst.idx.add.f32.msk $0xffff, v8;
	v6 =	vmul.f32 v12, v13  }
0xc0: {  	[tilespmem:v3+s15+$0x0] =	vst.idx.add.f32.msk $0xffff, v11;
	v7 =	vmul.f32 v14, v15  }
0xc1: {  	[tilespmem:v4+s15+$0x0] =	vst.idx.add.f32.msk $0xffff, v6;
	v3 =	vmul.f32 v17, v16  }
0xc2: {  	s24 =	sadd.s32 $0x100, s24;
	[tilespmem:v5+s15+$0x0] =	vst.idx.add.f32.msk $0xffff, v7;
	v4 =	vmul.f32 v18, v10  }
0xc3: {  	_ =	sdelay $0x3  }
0xc4: {  	[tilespmem:v1+s15+$0x0] =	vst.idx.add.f32.msk $0xffff, v3  }
0xc5: {  	[tilespmem:v2+s15+$0x0] =	vst.idx.add.f32.msk $0xffff, v4  }
.LBB2_10:
0xc6: {  	v1 =	vld [tilespmem:s22+$0xFFFFFFF0];
	_ =	sdelay $0x4  }
0xc7: {  	v2 =	vshrl.u32 v1, $0xE;
	_ =	sdelay $0x3  }
0xc8: {  	v3 =	vld [tilespmem:s21+$0xFFFFFFF0]  }
0xc9: {  	v2 =	vld.idx.msk [tilespmem:v2+s3+$0x0], $0xffff;
	_ =	sdelay $0x1  }
0xca: {  	v1 =	vand.u32 $0x3FFF, v1;
	_ =	sdelay $0x2  }
0xcb: {  	v2 =	vmul.f32 v3, v2;
	_ =	sdelay $0x1  }
0xcc: {  	[tilespmem:v1+s14+$0x0] =	vst.idx.add.f32.msk $0xffff, v2  }
0xcd: {  	v1 =	vld [tilespmem:s22+$0x0];
	_ =	sdelay $0x4  }
0xce: {  	v2 =	vshrl.u32 v1, $0xE;
	_ =	sdelay $0x3  }
0xcf: {  	v3 =	vld [tilespmem:s21+$0x0]  }
0xd0: {  	v2 =	vld.idx.msk [tilespmem:v2+s3+$0x0], $0xffff  }
0xd1: {  	s20 =	sadd.s32 $0x20, s20  }
0xd2: {  	p0 =	slt.u32 s20, $0x3E60;
	v1 =	vand.u32 $0x3FFF, v1  }
.Ltmp4:
0xd3: {  	_ = 	snop;
	(pc) =	sbr.rel @p0 .LBB2_10-.Ltmp4, $3  }
0xd4: {  	_ = 	snop  }
0xd5: {  	v2 =	vmul.f32 v3, v2;
	_ =	sdelay $0x1  }
0xd6: {  	s21 =	sadd.s32 $0x20, s21;
	s22 =	sadd.s32 $0x20, s22;
	[tilespmem:v1+s15+$0x0] =	vst.idx.add.f32.msk $0xffff, v2  }
0xd7: {  	s18 =	sadd.s32 $0x1, s18  }
0xd8: {  	p0 =	sne.s32 s18, $0xA  }
.Ltmp5:
0xd9: {  	_ = 	snop;
	(pc) =	sbr.rel @p0 .LBB2_7-.Ltmp5, $1  }
0xda: {  	_ =	sdelay $0x3  }
0xdb: {  	s18 =	simm.s32 $0x27C0  }
0xdc: {  	s19 =	simm.s32 $0x4F40;
	v2 =	vld [tilespmem:s18+$0x30]  }
0xdd: {  	v3 =	vld [tilespmem:s19+$0x30]  }
0xde: {  	v1 =	vld [tilespmem:s19+$0xFFFFFFC0]  }
0xdf: {  	v4 =	vld [tilespmem:s18+$0xFFFFFFD0]  }
0xe0: {  	v5 =	vld [tilespmem:s19+$0xFFFFFFD0]  }
0xe1: {  	v6 =	vld [tilespmem:s18+$0xFFFFFFE0]  }
0xe2: {  	v7 =	vld [tilespmem:s19+$0xFFFFFFE0]  }
0xe3: {  	v8 =	vld [tilespmem:s18+$0xFFFFFFF0]  }
0xe4: {  	v9 =	vld [tilespmem:s19+$0xFFFFFFF0]  }
0xe5: {  	v10 =	vld [tilespmem:s18+$0x0]  }
0xe6: {  	v11 =	vld [tilespmem:s19+$0x0];
	v3 =	vadd.f32 v3, v2  }
0xe7: {  	v5 =	vadd.f32 v5, v4;
	v2 =	vld [tilespmem:s18+$0x10]  }
0xe8: {  	v6 =	vadd.f32 v7, v6;
	v4 =	vld [tilespmem:s19+$0x10];
	[tilespmem:s18+$0x30] =	vst v3  }
0xe9: {  	v7 =	vadd.f32 v9, v8;
	[tilespmem:s18+$0xFFFFFFD0] =	vst v5;
	v3 =	vld [tilespmem:s18+$0x20]  }
0xea: {  	[tilespmem:s18+$0xFFFFFFE0] =	vst v6;
	v6 =	vld [tilespmem:s19+$0x20]  }
0xeb: {  	s20 =	simm.s32 $0x0;
	s21 =	simm.s32 $0x2840;
	v5 =	vld [tilespmem:s18+$0xFFFFFFC0];
	[tilespmem:s18+$0xFFFFFFF0] =	vst v7;
	v7 =	vadd.f32 v11, v10  }
.LBB2_13:
0xec: {  	v8 =	vld [tilespmem:s21+$0x30];
	s19 =	sadd.s32 $0x80, s19  }
0xed: {  	s20 =	sadd.s32 $0x80, s20;
	v9 =	vld [tilespmem:s19+$0x30];
	[tilespmem:s18+$0x0] =	vst v7;
	v2 =	vadd.f32 v4, v2  }
0xee: {  	p0 =	slt.u32 s20, $0x2680;
	v4 =	vld [tilespmem:s19+$0xFFFFFFC0]  }
0xef: {  	v7 =	vld [tilespmem:s21+$0xFFFFFFD0];
	[tilespmem:s18+$0x10] =	vst v2;
	v2 =	vadd.f32 v6, v3  }
0xf0: {  	v3 =	vld [tilespmem:s19+$0xFFFFFFD0];
	v10 =	vadd.f32 v1, v5  }
0xf1: {  	v5 =	vld [tilespmem:s21+$0xFFFFFFE0];
	[tilespmem:s18+$0x20] =	vst v2  }
0xf2: {  	v2 =	vld [tilespmem:s19+$0xFFFFFFE0];
	v6 =	vadd.f32 v9, v8;
	[tilespmem:s18+$0xFFFFFFC0] =	vst v10;
	s18 =	smov.u32 s21  }
0xf3: {  	v8 =	vld [tilespmem:s21+$0xFFFFFFF0];
	v1 =	vmov v4  }
0xf4: {  	v9 =	vld [tilespmem:s19+$0xFFFFFFF0];
	[tilespmem:s21+$0x30] =	vst v6  }
0xf5: {  	v3 =	vadd.f32 v3, v7;
	v7 =	vld [tilespmem:s21+$0x0]  }
0xf6: {  	v10 =	vld [tilespmem:s19+$0x0]  }
.Ltmp6:
0xf7: {  	[tilespmem:s21+$0xFFFFFFD0] =	vst v3;
	v3 =	vadd.f32 v2, v5;
	v2 =	vld [tilespmem:s21+$0x10];
	(pc) =	sbr.rel @p0 .LBB2_13-.Ltmp6, $4  }
0xf8: {  	v4 =	vld [tilespmem:s19+$0x10]  }
0xf9: {  	[tilespmem:s21+$0xFFFFFFE0] =	vst v3;
	v8 =	vadd.f32 v9, v8;
	v3 =	vld [tilespmem:s21+$0x20]  }
0xfa: {  	v6 =	vld [tilespmem:s19+$0x20]  }
0xfb: {  	s21 =	sadd.s32 $0x80, s21;
	v5 =	vld [tilespmem:s18+$0xFFFFFFC0];
	[tilespmem:s18+$0xFFFFFFF0] =	vst v8;
	v7 =	vadd.f32 v10, v7  }
0xfc: {  	_ =	sdelay $0x1  }
0xfd: {  	v2 =	vadd.f32 v4, v2  }
0xfe: {  	[tilespmem:s18+$0x0] =	vst v7;
	v3 =	vadd.f32 v6, v3  }
0xff: {  	[tilespmem:s18+$0x10] =	vst v2;
	v1 =	vadd.f32 v1, v5  }
0x100: {  	[tilespmem:s18+$0x20] =	vst v3  }
0x101: {  	[tilespmem:s18+$0xFFFFFFC0] =	vst v1  }
0x102: {  	v1 =	vld [tilespmem:$0x4E80]  }
0x103: {  	v2 =	vld [tilespmem:$0x7600];
	_ =	sdelay $0x4  }
0x104: {  	s17 =	sadd.s32 $0x1, s17;
	v1 =	vadd.f32 v2, v1  }
0x105: {  	p0 =	sne.s32 s17, s8  }
.Ltmp7:
0x106: {  	[tilespmem:$0x4E80] =	vst v1;
	(pc) =	sbr.rel @p0 .LBB2_2-.Ltmp7, $4  }
0x107: {  	[hbm4b:s6+s9] =	stream.strided.scatter [tilespmem:s14], [sflag:$0x1], $0x2780, s16, s9, $0x38;
	[tilespmem:$0xF380] =	vst v63  }
0x108: {  	_ =	swait.ge [sflag:s11], $0x2780  }
0x109: {  	[sflag:s11] =	ssyncset.done $0x0  }
0x10a: {  	[sflag:s11] =	ssyncadd.s32 $0xFFFFD880  }
.LBB2_15:
0x10b: {  	_ =	sfence.sel $0x180000  }
0x10c: {  	[bflag:$0x0] =	sbarrier.arrive $0xFFFF  }
0x10d: {  	p0 =	sne.s32 s1, $0x0;
	_ =	strace $0x9000004A  }
0x10e: {  	s0 =	sadd.s32 @!p0 $0x100000, s0;
	[bflag:$0x2] =	sbarrier.arrive $0xFFFF  }
0x10f: {  	[sflag:s0] =	ssyncadd.tile.s32 @!p0 $0x1;
	_ =	shalt  }
.Lfunc_end2:
_tile_overlayer_lowered:
.L_overlay_start_2:
0x110: {  	(tag) =	ssettag $0x2  }
0x111: {  	s0 =	rddreg [dreg:$0x0];
	s2 =	stileid.u32  }
0x112: {  	s1 =	rddreg [dreg:$0x1];
	p0 =	sne.s32 s2, $0x0  }
0x113: {  	s3 =	rddreg [dreg:$0x2];
	[bflag:$0x3] =	sbarrier.arrive $0xFFFF;
	s2 =	simm.s32 @!p0 $0x1C01  }
0x114: {  	[timem:s3], [sflag:s2] =	dma.local @!p0 [hbm:s0], s1  }
0x115: {  	s0 =	simm.s32 @!p0 $0x1  }
0x116: {  	_ =	swait.ge @!p0 [sflag:s0], s1  }
0x117: {  	s1 =	ssub.s32 @!p0 $0x0, s1;
	[sflag:s0] =	ssyncset.done @!p0 $0x0  }
0x118: {  	[sflag:s0] =	ssyncadd.s32 @!p0 s1  }
0x119: {  	[bflag:$0x3] =	sbarrier.arrive $0xFFFF  }
0x11a: {  	_ =	shalt  }

</sc_bundles>
